<compile_context>
chip_gen: v7x
topology: tpu7x:2x2x1
jax: 0.10.2.dev20260603
libtpu: 0.0.44.dev20260713+nightly
codegen_flags: <defaults>
</compile_context>

<pallas_src>
import functools

import jax
import jax.numpy as jnp
from jax import lax
from jax.experimental import pallas as pl
from jax.experimental.pallas import tpu as pltpu
from jax.experimental.pallas import tpu_sc as plsc

_NUM_CORES = 2
_NUM_SUBCORES = 16
_NUM_WORKERS = _NUM_CORES * _NUM_SUBCORES

_D = 512
_CHUNK = 32
_NBUF = 6


@functools.partial(jax.jit, static_argnames=("b_per_w", "n_chunks"))
def _sc_gather(idx, table, *, b_per_w, n_chunks):
    mesh = plsc.VectorSubcoreMesh(
        core_axis_name="c", subcore_axis_name="s",
        num_cores=_NUM_CORES, num_subcores=_NUM_SUBCORES,
    )
    B = b_per_w * _NUM_WORKERS

    @functools.partial(
        pl.kernel,
        out_type=jax.ShapeDtypeStruct((B, _D), jnp.float32),
        mesh=mesh,
        scratch_types=[
            pltpu.VMEM((b_per_w,), jnp.int32),
            pltpu.VMEM((_NBUF, _CHUNK, _D), jnp.float32),
            pltpu.SemaphoreType.DMA,
            pltpu.SemaphoreType.DMA,
        ]
        + [pltpu.SemaphoreType.DMA] * (2 * _NBUF),
    )
    def k(idx_hbm, table_hbm, out_hbm, idx_v, rows_v, isem, isem2, *sems):
        gsem = sems[:_NBUF]
        osem = sems[_NBUF:]
        wid = lax.axis_index("s") * _NUM_CORES + lax.axis_index("c")
        base = wid * b_per_w
        head = min(8 * _CHUNK, b_per_w)
        ic0 = pltpu.async_copy(
            idx_hbm.at[pl.ds(base, head)], idx_v.at[pl.ds(0, head)], isem)
        ic_rest = None
        if b_per_w > head:
            ic_rest = pltpu.async_copy(
                idx_hbm.at[pl.ds(base + head, b_per_w - head)],
                idx_v.at[pl.ds(head, b_per_w - head)], isem2)

        gather = [None] * _NBUF
        out_cp = [None] * _NBUF

        def start_gather(c, b):
            return pltpu.async_copy(
                table_hbm.at[idx_v.at[pl.ds(c * _CHUNK, _CHUNK)]],
                rows_v.at[b], gsem[b], priority=1)

        ic0.wait()
        for j in range(min(_NBUF - 1, n_chunks)):
            gather[j] = start_gather(j, j)
        if ic_rest is not None:
            ic_rest.wait()

        for i in range(n_chunks):
            b = i % _NBUF
            pf = i + _NBUF - 1
            if pf < n_chunks:
                pb = pf % _NBUF
                if out_cp[pb] is not None:
                    out_cp[pb].wait()
                gather[pb] = start_gather(pf, pb)
            gather[b].wait()
            out_cp[b] = pltpu.async_copy(
                rows_v.at[b], out_hbm.at[pl.ds(base + i * _CHUNK, _CHUNK)],
                osem[b])
        for b in range(_NBUF):
            if out_cp[b] is not None:
                out_cp[b].wait()

    return k(idx, table)


def kernel(x, emb_weight):
    B = x.shape[0] * x.shape[1]
    idx = x.reshape((B,)).astype(jnp.int32)
    b_per_w = B // _NUM_WORKERS
    n_chunks = b_per_w // _CHUNK
    out = _sc_gather(idx, emb_weight, b_per_w=b_per_w, n_chunks=n_chunks)
    return out.reshape((x.shape[0], x.shape[1], _D))

# --- scband reference (transcript-rebuilt; emitter-appended) ---
"""Pipeline reference for scband-net-55851754717467 (READ-ONLY COPY).

The authoritative reference and input builder live on the scoring server;
editing this copy changes nothing except your own understanding.
"""

import jax, jax.numpy as jnp
import numpy as np

VOCAB = 8200
EMBED_DIM = 512


def setup_inputs(seed: int = 0) -> dict:
    key = jax.random.key(seed)
    k_x, k_w = jax.random.split(key)
    x = jax.random.randint(k_x, (1, 16384), 0, VOCAB, dtype=jnp.int64 if jax.config.jax_enable_x64 else jnp.int32)
    emb_weight = jax.random.normal(k_w, (VOCAB, EMBED_DIM), dtype=jnp.float32)
    return {"x": x, "emb_weight": emb_weight}


def reference(x, emb_weight):
    # forward: return self.emb(x)  -> embedding gather
    return jnp.take(emb_weight, x, axis=0)

if __name__ == "__main__":
    import jax
    _d = setup_inputs()
    print(jax.jit(kernel)(*tuple(_d.values())))

</pallas_src>

<mosaic_0001>
#map = affine_map<(d0, d1) -> (0)>
#map1 = affine_map<(d0, d1) -> (0, 0)>
module attributes {stable_mosaic.version = 14 : i64} {
  func.func @k(%arg0: i32, %arg1: i32, %arg2: memref<16384xi32, #tpu.memory_space<hbm>>, %arg3: memref<8200x512xf32, #tpu.memory_space<hbm>>, %arg4: memref<16384x512xf32, #tpu.memory_space<hbm>>, %arg5: memref<512xi32, #tpu.memory_space<vmem>>, %arg6: memref<6x32x512xf32, #tpu.memory_space<vmem>>, %arg7: memref<!tpu.dma_semaphore, #tpu.memory_space<semaphore_mem>>, %arg8: memref<!tpu.dma_semaphore, #tpu.memory_space<semaphore_mem>>, %arg9: memref<!tpu.dma_semaphore, #tpu.memory_space<semaphore_mem>>, %arg10: memref<!tpu.dma_semaphore, #tpu.memory_space<semaphore_mem>>, %arg11: memref<!tpu.dma_semaphore, #tpu.memory_space<semaphore_mem>>, %arg12: memref<!tpu.dma_semaphore, #tpu.memory_space<semaphore_mem>>, %arg13: memref<!tpu.dma_semaphore, #tpu.memory_space<semaphore_mem>>, %arg14: memref<!tpu.dma_semaphore, #tpu.memory_space<semaphore_mem>>, %arg15: memref<!tpu.dma_semaphore, #tpu.memory_space<semaphore_mem>>, %arg16: memref<!tpu.dma_semaphore, #tpu.memory_space<semaphore_mem>>, %arg17: memref<!tpu.dma_semaphore, #tpu.memory_space<semaphore_mem>>, %arg18: memref<!tpu.dma_semaphore, #tpu.memory_space<semaphore_mem>>, %arg19: memref<!tpu.dma_semaphore, #tpu.memory_space<semaphore_mem>>, %arg20: memref<!tpu.dma_semaphore, #tpu.memory_space<semaphore_mem>>) attributes {dimension_semantics = [#tpu.dimension_semantics<core_parallel>, #tpu.dimension_semantics<subcore_parallel>], iteration_bounds = array<i64: 2, 16>, scalar_prefetch = 0 : i64, scratch_operands = 16 : i64, tpu.core_type = #tpu.core_type<sc_vector_subcore>, window_params = [{transform_indices = #map}, {transform_indices = #map1}, {transform_indices = #map1}]} {
    %mul3A = arith.constant 2 : i32
    %mul3A_0 = arith.muli %arg1, %mul3A : i32
    %add3A = arith.addi %mul3A_0, %arg0 : i32
    %mul3A_1 = arith.constant 512 : i32
    %mul3A_2 = arith.muli %add3A, %mul3A_1 : i32
    %dma_start3A = arith.constant 0 : i32
    %dma_start3A_3 = tpu.memref_slice %arg5[%dma_start3A] : memref<512xi32, #tpu.memory_space<vmem>> -> memref<256xi32, #tpu.memory_space<vmem>>
    %dma_start3A_4 = tpu.memref_slice %arg2[%mul3A_2] : memref<16384xi32, #tpu.memory_space<hbm>> -> memref<256xi32, #tpu.memory_space<hbm>>
    %dma_start3A_5 = arith.constant 0 : i32
    %dma_start3A_6 = tpu.memref_slice %arg5[%dma_start3A_5] : memref<512xi32, #tpu.memory_space<vmem>> -> memref<256xi32, #tpu.memory_space<vmem>>
    %dma_start3A_7 = tpu.memref_slice %arg2[%mul3A_2] : memref<16384xi32, #tpu.memory_space<hbm>> -> memref<256xi32, #tpu.memory_space<hbm>>
    tpu.enqueue_dma source(%dma_start3A_7 : memref<256xi32, #tpu.memory_space<hbm>>) target(%dma_start3A_6 : memref<256xi32, #tpu.memory_space<vmem>>) target_semaphore(%arg7 : memref<!tpu.dma_semaphore, #tpu.memory_space<semaphore_mem>>)
    %add3A_8 = arith.constant 256 : i32
    %add3A_9 = arith.addi %mul3A_2, %add3A_8 : i32
    %dma_start3A_10 = arith.constant 256 : i32
    %dma_start3A_11 = tpu.memref_slice %arg5[%dma_start3A_10] : memref<512xi32, #tpu.memory_space<vmem>> -> memref<256xi32, #tpu.memory_space<vmem>>
    %dma_start3A_12 = tpu.memref_slice %arg2[%add3A_9] : memref<16384xi32, #tpu.memory_space<hbm>> -> memref<256xi32, #tpu.memory_space<hbm>>
    %dma_start3A_13 = arith.constant 256 : i32
    %dma_start3A_14 = tpu.memref_slice %arg5[%dma_start3A_13] : memref<512xi32, #tpu.memory_space<vmem>> -> memref<256xi32, #tpu.memory_space<vmem>>
    %dma_start3A_15 = tpu.memref_slice %arg2[%add3A_9] : memref<16384xi32, #tpu.memory_space<hbm>> -> memref<256xi32, #tpu.memory_space<hbm>>
    tpu.enqueue_dma source(%dma_start3A_15 : memref<256xi32, #tpu.memory_space<hbm>>) target(%dma_start3A_14 : memref<256xi32, #tpu.memory_space<vmem>>) target_semaphore(%arg8 : memref<!tpu.dma_semaphore, #tpu.memory_space<semaphore_mem>>)
    %dma_wait3A = arith.constant 0 : i32
    %dma_wait3A_16 = tpu.memref_slice %arg5[%dma_wait3A] : memref<512xi32, #tpu.memory_space<vmem>> -> memref<256xi32, #tpu.memory_space<vmem>>
    %dma_wait3A_17 = tpu.memref_slice %arg2[%mul3A_2] : memref<16384xi32, #tpu.memory_space<hbm>> -> memref<256xi32, #tpu.memory_space<hbm>>
    %dma_wait3A_18 = arith.constant 0 : i32
    %dma_wait3A_19 = tpu.memref_slice %arg5[%dma_wait3A_18] : memref<512xi32, #tpu.memory_space<vmem>> -> memref<256xi32, #tpu.memory_space<vmem>>
    %dma_wait3A_20 = tpu.memref_slice %arg2[%mul3A_2] : memref<16384xi32, #tpu.memory_space<hbm>> -> memref<256xi32, #tpu.memory_space<hbm>>
    tpu.wait_dma2 semaphore(%arg7 : memref<!tpu.dma_semaphore, #tpu.memory_space<semaphore_mem>>) src(%dma_wait3A_20 : memref<256xi32, #tpu.memory_space<hbm>>) dst(%dma_wait3A_19 : memref<256xi32, #tpu.memory_space<vmem>>)
    %dma_start3A_21 = arith.constant 0 : i32
    %dma_start3A_22 = arith.constant 0 : i32
    %dma_start3A_23 = arith.constant 0 : i32
    %dma_start3A_24 = tpu.memref_slice %arg6[%dma_start3A_21, %dma_start3A_22, %dma_start3A_23] : memref<6x32x512xf32, #tpu.memory_space<vmem>> -> memref<1x32x512xf32, #tpu.memory_space<vmem>>
    %dma_start3A_25 = tpu.memref_squeeze %dma_start3A_24 : memref<1x32x512xf32, #tpu.memory_space<vmem>> -> memref<32x512xf32, #tpu.memory_space<vmem>>
    %dma_start3A_26 = arith.constant 0 : i32
    %dma_start3A_27 = tpu.memref_slice %arg5[%dma_start3A_26] : memref<512xi32, #tpu.memory_space<vmem>> -> memref<32xi32, #tpu.memory_space<vmem>>
    %dma_start3A_28 = arith.constant 0 : i32
    %dma_start3A_29 = arith.constant 0 : i32
    %dma_start3A_30 = tpu.memref_slice %arg3[%dma_start3A_28, %dma_start3A_29] : memref<8200x512xf32, #tpu.memory_space<hbm>> -> memref<8200x512xf32, #tpu.memory_space<hbm>>
    tpu.enqueue_indirect_dma source(%dma_start3A_30 : memref<8200x512xf32, #tpu.memory_space<hbm>>) target(%dma_start3A_25 : memref<32x512xf32, #tpu.memory_space<vmem>>) offsets(%dma_start3A_27 : memref<32xi32, #tpu.memory_space<vmem>>) semaphore(%arg9 : memref<!tpu.dma_semaphore, #tpu.memory_space<semaphore_mem>>)
    %dma_start3A_31 = arith.constant 1 : i32
    %dma_start3A_32 = arith.constant 0 : i32
    %dma_start3A_33 = arith.constant 0 : i32
    %dma_start3A_34 = tpu.memref_slice %arg6[%dma_start3A_31, %dma_start3A_32, %dma_start3A_33] : memref<6x32x512xf32, #tpu.memory_space<vmem>> -> memref<1x32x512xf32, #tpu.memory_space<vmem>>
    %dma_start3A_35 = tpu.memref_squeeze %dma_start3A_34 : memref<1x32x512xf32, #tpu.memory_space<vmem>> -> memref<32x512xf32, #tpu.memory_space<vmem>>
    %dma_start3A_36 = arith.constant 32 : i32
    %dma_start3A_37 = tpu.memref_slice %arg5[%dma_start3A_36] : memref<512xi32, #tpu.memory_space<vmem>> -> memref<32xi32, #tpu.memory_space<vmem>>
    %dma_start3A_38 = arith.constant 0 : i32
    %dma_start3A_39 = arith.constant 0 : i32
    %dma_start3A_40 = tpu.memref_slice %arg3[%dma_start3A_38, %dma_start3A_39] : memref<8200x512xf32, #tpu.memory_space<hbm>> -> memref<8200x512xf32, #tpu.memory_space<hbm>>
    tpu.enqueue_indirect_dma source(%dma_start3A_40 : memref<8200x512xf32, #tpu.memory_space<hbm>>) target(%dma_start3A_35 : memref<32x512xf32, #tpu.memory_space<vmem>>) offsets(%dma_start3A_37 : memref<32xi32, #tpu.memory_space<vmem>>) semaphore(%arg10 : memref<!tpu.dma_semaphore, #tpu.memory_space<semaphore_mem>>)
    %dma_start3A_41 = arith.constant 2 : i32
    %dma_start3A_42 = arith.constant 0 : i32
    %dma_start3A_43 = arith.constant 0 : i32
    %dma_start3A_44 = tpu.memref_slice %arg6[%dma_start3A_41, %dma_start3A_42, %dma_start3A_43] : memref<6x32x512xf32, #tpu.memory_space<vmem>> -> memref<1x32x512xf32, #tpu.memory_space<vmem>>
    %dma_start3A_45 = tpu.memref_squeeze %dma_start3A_44 : memref<1x32x512xf32, #tpu.memory_space<vmem>> -> memref<32x512xf32, #tpu.memory_space<vmem>>
    %dma_start3A_46 = arith.constant 64 : i32
    %dma_start3A_47 = tpu.memref_slice %arg5[%dma_start3A_46] : memref<512xi32, #tpu.memory_space<vmem>> -> memref<32xi32, #tpu.memory_space<vmem>>
    %dma_start3A_48 = arith.constant 0 : i32
    %dma_start3A_49 = arith.constant 0 : i32
    %dma_start3A_50 = tpu.memref_slice %arg3[%dma_start3A_48, %dma_start3A_49] : memref<8200x512xf32, #tpu.memory_space<hbm>> -> memref<8200x512xf32, #tpu.memory_space<hbm>>
    tpu.enqueue_indirect_dma source(%dma_start3A_50 : memref<8200x512xf32, #tpu.memory_space<hbm>>) target(%dma_start3A_45 : memref<32x512xf32, #tpu.memory_space<vmem>>) offsets(%dma_start3A_47 : memref<32xi32, #tpu.memory_space<vmem>>) semaphore(%arg11 : memref<!tpu.dma_semaphore, #tpu.memory_space<semaphore_mem>>)
    %dma_start3A_51 = arith.constant 3 : i32
    %dma_start3A_52 = arith.constant 0 : i32
    %dma_start3A_53 = arith.constant 0 : i32
    %dma_start3A_54 = tpu.memref_slice %arg6[%dma_start3A_51, %dma_start3A_52, %dma_start3A_53] : memref<6x32x512xf32, #tpu.memory_space<vmem>> -> memref<1x32x512xf32, #tpu.memory_space<vmem>>
    %dma_start3A_55 = tpu.memref_squeeze %dma_start3A_54 : memref<1x32x512xf32, #tpu.memory_space<vmem>> -> memref<32x512xf32, #tpu.memory_space<vmem>>
    %dma_start3A_56 = arith.constant 96 : i32
    %dma_start3A_57 = tpu.memref_slice %arg5[%dma_start3A_56] : memref<512xi32, #tpu.memory_space<vmem>> -> memref<32xi32, #tpu.memory_space<vmem>>
    %dma_start3A_58 = arith.constant 0 : i32
    %dma_start3A_59 = arith.constant 0 : i32
    %dma_start3A_60 = tpu.memref_slice %arg3[%dma_start3A_58, %dma_start3A_59] : memref<8200x512xf32, #tpu.memory_space<hbm>> -> memref<8200x512xf32, #tpu.memory_space<hbm>>
    tpu.enqueue_indirect_dma source(%dma_start3A_60 : memref<8200x512xf32, #tpu.memory_space<hbm>>) target(%dma_start3A_55 : memref<32x512xf32, #tpu.memory_space<vmem>>) offsets(%dma_start3A_57 : memref<32xi32, #tpu.memory_space<vmem>>) semaphore(%arg12 : memref<!tpu.dma_semaphore, #tpu.memory_space<semaphore_mem>>)
    %dma_start3A_61 = arith.constant 4 : i32
    %dma_start3A_62 = arith.constant 0 : i32
    %dma_start3A_63 = arith.constant 0 : i32
    %dma_start3A_64 = tpu.memref_slice %arg6[%dma_start3A_61, %dma_start3A_62, %dma_start3A_63] : memref<6x32x512xf32, #tpu.memory_space<vmem>> -> memref<1x32x512xf32, #tpu.memory_space<vmem>>
    %dma_start3A_65 = tpu.memref_squeeze %dma_start3A_64 : memref<1x32x512xf32, #tpu.memory_space<vmem>> -> memref<32x512xf32, #tpu.memory_space<vmem>>
    %dma_start3A_66 = arith.constant 128 : i32
    %dma_start3A_67 = tpu.memref_slice %arg5[%dma_start3A_66] : memref<512xi32, #tpu.memory_space<vmem>> -> memref<32xi32, #tpu.memory_space<vmem>>
    %dma_start3A_68 = arith.constant 0 : i32
    %dma_start3A_69 = arith.constant 0 : i32
    %dma_start3A_70 = tpu.memref_slice %arg3[%dma_start3A_68, %dma_start3A_69] : memref<8200x512xf32, #tpu.memory_space<hbm>> -> memref<8200x512xf32, #tpu.memory_space<hbm>>
    tpu.enqueue_indirect_dma source(%dma_start3A_70 : memref<8200x512xf32, #tpu.memory_space<hbm>>) target(%dma_start3A_65 : memref<32x512xf32, #tpu.memory_space<vmem>>) offsets(%dma_start3A_67 : memref<32xi32, #tpu.memory_space<vmem>>) semaphore(%arg13 : memref<!tpu.dma_semaphore, #tpu.memory_space<semaphore_mem>>)
    %dma_wait3A_71 = arith.constant 256 : i32
    %dma_wait3A_72 = tpu.memref_slice %arg5[%dma_wait3A_71] : memref<512xi32, #tpu.memory_space<vmem>> -> memref<256xi32, #tpu.memory_space<vmem>>
    %dma_wait3A_73 = tpu.memref_slice %arg2[%add3A_9] : memref<16384xi32, #tpu.memory_space<hbm>> -> memref<256xi32, #tpu.memory_space<hbm>>
    %dma_wait3A_74 = arith.constant 256 : i32
    %dma_wait3A_75 = tpu.memref_slice %arg5[%dma_wait3A_74] : memref<512xi32, #tpu.memory_space<vmem>> -> memref<256xi32, #tpu.memory_space<vmem>>
    %dma_wait3A_76 = tpu.memref_slice %arg2[%add3A_9] : memref<16384xi32, #tpu.memory_space<hbm>> -> memref<256xi32, #tpu.memory_space<hbm>>
    tpu.wait_dma2 semaphore(%arg8 : memref<!tpu.dma_semaphore, #tpu.memory_space<semaphore_mem>>) src(%dma_wait3A_76 : memref<256xi32, #tpu.memory_space<hbm>>) dst(%dma_wait3A_75 : memref<256xi32, #tpu.memory_space<vmem>>)
    %dma_start3A_77 = arith.constant 5 : i32
    %dma_start3A_78 = arith.constant 0 : i32
    %dma_start3A_79 = arith.constant 0 : i32
    %dma_start3A_80 = tpu.memref_slice %arg6[%dma_start3A_77, %dma_start3A_78, %dma_start3A_79] : memref<6x32x512xf32, #tpu.memory_space<vmem>> -> memref<1x32x512xf32, #tpu.memory_space<vmem>>
    %dma_start3A_81 = tpu.memref_squeeze %dma_start3A_80 : memref<1x32x512xf32, #tpu.memory_space<vmem>> -> memref<32x512xf32, #tpu.memory_space<vmem>>
    %dma_start3A_82 = arith.constant 160 : i32
    %dma_start3A_83 = tpu.memref_slice %arg5[%dma_start3A_82] : memref<512xi32, #tpu.memory_space<vmem>> -> memref<32xi32, #tpu.memory_space<vmem>>
    %dma_start3A_84 = arith.constant 0 : i32
    %dma_start3A_85 = arith.constant 0 : i32
    %dma_start3A_86 = tpu.memref_slice %arg3[%dma_start3A_84, %dma_start3A_85] : memref<8200x512xf32, #tpu.memory_space<hbm>> -> memref<8200x512xf32, #tpu.memory_space<hbm>>
    tpu.enqueue_indirect_dma source(%dma_start3A_86 : memref<8200x512xf32, #tpu.memory_space<hbm>>) target(%dma_start3A_81 : memref<32x512xf32, #tpu.memory_space<vmem>>) offsets(%dma_start3A_83 : memref<32xi32, #tpu.memory_space<vmem>>) semaphore(%arg14 : memref<!tpu.dma_semaphore, #tpu.memory_space<semaphore_mem>>)
    %dma_wait3A_87 = arith.constant 0 : i32
    %dma_wait3A_88 = arith.constant 0 : i32
    %dma_wait3A_89 = arith.constant 0 : i32
    %dma_wait3A_90 = tpu.memref_slice %arg6[%dma_wait3A_87, %dma_wait3A_88, %dma_wait3A_89] : memref<6x32x512xf32, #tpu.memory_space<vmem>> -> memref<1x32x512xf32, #tpu.memory_space<vmem>>
    %dma_wait3A_91 = tpu.memref_squeeze %dma_wait3A_90 : memref<1x32x512xf32, #tpu.memory_space<vmem>> -> memref<32x512xf32, #tpu.memory_space<vmem>>
    %dma_wait3A_92 = arith.constant 0 : i32
    %dma_wait3A_93 = tpu.memref_slice %arg5[%dma_wait3A_92] : memref<512xi32, #tpu.memory_space<vmem>> -> memref<32xi32, #tpu.memory_space<vmem>>
    %dma_wait3A_94 = arith.constant 0 : i32
    %dma_wait3A_95 = arith.constant 0 : i32
    %dma_wait3A_96 = tpu.memref_slice %arg3[%dma_wait3A_94, %dma_wait3A_95] : memref<8200x512xf32, #tpu.memory_space<hbm>> -> memref<8200x512xf32, #tpu.memory_space<hbm>>
    tpu.wait_indirect_dma semaphore(%arg9 : memref<!tpu.dma_semaphore, #tpu.memory_space<semaphore_mem>>) src(%dma_wait3A_96 : memref<8200x512xf32, #tpu.memory_space<hbm>>) dst(%dma_wait3A_91 : memref<32x512xf32, #tpu.memory_space<vmem>>)
    %add3A_97 = arith.constant 0 : i32
    %add3A_98 = arith.addi %mul3A_2, %add3A_97 : i32
    %dma_start3A_99 = arith.constant 0 : i32
    %dma_start3A_100 = arith.constant 0 : i32
    %dma_start3A_101 = arith.constant 0 : i32
    %dma_start3A_102 = tpu.memref_slice %arg6[%dma_start3A_99, %dma_start3A_100, %dma_start3A_101] : memref<6x32x512xf32, #tpu.memory_space<vmem>> -> memref<1x32x512xf32, #tpu.memory_space<vmem>>
    %dma_start3A_103 = tpu.memref_squeeze %dma_start3A_102 : memref<1x32x512xf32, #tpu.memory_space<vmem>> -> memref<32x512xf32, #tpu.memory_space<vmem>>
    %dma_start3A_104 = arith.constant 0 : i32
    %dma_start3A_105 = tpu.memref_slice %arg4[%add3A_98, %dma_start3A_104] : memref<16384x512xf32, #tpu.memory_space<hbm>> -> memref<32x512xf32, #tpu.memory_space<hbm>>
    %dma_start3A_106 = arith.constant 0 : i32
    %dma_start3A_107 = tpu.memref_slice %arg4[%add3A_98, %dma_start3A_106] : memref<16384x512xf32, #tpu.memory_space<hbm>> -> memref<32x512xf32, #tpu.memory_space<hbm>>
    %dma_start3A_108 = arith.constant 0 : i32
    %dma_start3A_109 = arith.constant 0 : i32
    %dma_start3A_110 = tpu.memref_slice %arg6[%dma_start3A_99, %dma_start3A_108, %dma_start3A_109] : memref<6x32x512xf32, #tpu.memory_space<vmem>> -> memref<1x32x512xf32, #tpu.memory_space<vmem>>
    %dma_start3A_111 = tpu.memref_squeeze %dma_start3A_110 : memref<1x32x512xf32, #tpu.memory_space<vmem>> -> memref<32x512xf32, #tpu.memory_space<vmem>>
    tpu.enqueue_dma source(%dma_start3A_111 : memref<32x512xf32, #tpu.memory_space<vmem>>) target(%dma_start3A_107 : memref<32x512xf32, #tpu.memory_space<hbm>>) target_semaphore(%arg15 : memref<!tpu.dma_semaphore, #tpu.memory_space<semaphore_mem>>)
    %dma_wait3A_112 = arith.constant 0 : i32
    %dma_wait3A_113 = arith.constant 0 : i32
    %dma_wait3A_114 = arith.constant 0 : i32
    %dma_wait3A_115 = tpu.memref_slice %arg6[%dma_wait3A_112, %dma_wait3A_113, %dma_wait3A_114] : memref<6x32x512xf32, #tpu.memory_space<vmem>> -> memref<1x32x512xf32, #tpu.memory_space<vmem>>
    %dma_wait3A_116 = tpu.memref_squeeze %dma_wait3A_115 : memref<1x32x512xf32, #tpu.memory_space<vmem>> -> memref<32x512xf32, #tpu.memory_space<vmem>>
    %dma_wait3A_117 = arith.constant 0 : i32
    %dma_wait3A_118 = tpu.memref_slice %arg4[%add3A_98, %dma_wait3A_117] : memref<16384x512xf32, #tpu.memory_space<hbm>> -> memref<32x512xf32, #tpu.memory_space<hbm>>
    %dma_wait3A_119 = arith.constant 0 : i32
    %dma_wait3A_120 = tpu.memref_slice %arg4[%add3A_98, %dma_wait3A_119] : memref<16384x512xf32, #tpu.memory_space<hbm>> -> memref<32x512xf32, #tpu.memory_space<hbm>>
    %dma_wait3A_121 = arith.constant 0 : i32
    %dma_wait3A_122 = arith.constant 0 : i32
    %dma_wait3A_123 = tpu.memref_slice %arg6[%dma_wait3A_112, %dma_wait3A_121, %dma_wait3A_122] : memref<6x32x512xf32, #tpu.memory_space<vmem>> -> memref<1x32x512xf32, #tpu.memory_space<vmem>>
    %dma_wait3A_124 = tpu.memref_squeeze %dma_wait3A_123 : memref<1x32x512xf32, #tpu.memory_space<vmem>> -> memref<32x512xf32, #tpu.memory_space<vmem>>
    tpu.wait_dma2 semaphore(%arg15 : memref<!tpu.dma_semaphore, #tpu.memory_space<semaphore_mem>>) src(%dma_wait3A_124 : memref<32x512xf32, #tpu.memory_space<vmem>>) dst(%dma_wait3A_120 : memref<32x512xf32, #tpu.memory_space<hbm>>)
    %dma_start3A_125 = arith.constant 0 : i32
    %dma_start3A_126 = arith.constant 0 : i32
    %dma_start3A_127 = arith.constant 0 : i32
    %dma_start3A_128 = tpu.memref_slice %arg6[%dma_start3A_125, %dma_start3A_126, %dma_start3A_127] : memref<6x32x512xf32, #tpu.memory_space<vmem>> -> memref<1x32x512xf32, #tpu.memory_space<vmem>>
    %dma_start3A_129 = tpu.memref_squeeze %dma_start3A_128 : memref<1x32x512xf32, #tpu.memory_space<vmem>> -> memref<32x512xf32, #tpu.memory_space<vmem>>
    %dma_start3A_130 = arith.constant 192 : i32
    %dma_start3A_131 = tpu.memref_slice %arg5[%dma_start3A_130] : memref<512xi32, #tpu.memory_space<vmem>> -> memref<32xi32, #tpu.memory_space<vmem>>
    %dma_start3A_132 = arith.constant 0 : i32
    %dma_start3A_133 = arith.constant 0 : i32
    %dma_start3A_134 = tpu.memref_slice %arg3[%dma_start3A_132, %dma_start3A_133] : memref<8200x512xf32, #tpu.memory_space<hbm>> -> memref<8200x512xf32, #tpu.memory_space<hbm>>
    tpu.enqueue_indirect_dma source(%dma_start3A_134 : memref<8200x512xf32, #tpu.memory_space<hbm>>) target(%dma_start3A_129 : memref<32x512xf32, #tpu.memory_space<vmem>>) offsets(%dma_start3A_131 : memref<32xi32, #tpu.memory_space<vmem>>) semaphore(%arg9 : memref<!tpu.dma_semaphore, #tpu.memory_space<semaphore_mem>>)
    %dma_wait3A_135 = arith.constant 1 : i32
    %dma_wait3A_136 = arith.constant 0 : i32
    %dma_wait3A_137 = arith.constant 0 : i32
    %dma_wait3A_138 = tpu.memref_slice %arg6[%dma_wait3A_135, %dma_wait3A_136, %dma_wait3A_137] : memref<6x32x512xf32, #tpu.memory_space<vmem>> -> memref<1x32x512xf32, #tpu.memory_space<vmem>>
    %dma_wait3A_139 = tpu.memref_squeeze %dma_wait3A_138 : memref<1x32x512xf32, #tpu.memory_space<vmem>> -> memref<32x512xf32, #tpu.memory_space<vmem>>
    %dma_wait3A_140 = arith.constant 32 : i32
    %dma_wait3A_141 = tpu.memref_slice %arg5[%dma_wait3A_140] : memref<512xi32, #tpu.memory_space<vmem>> -> memref<32xi32, #tpu.memory_space<vmem>>
    %dma_wait3A_142 = arith.constant 0 : i32
    %dma_wait3A_143 = arith.constant 0 : i32
    %dma_wait3A_144 = tpu.memref_slice %arg3[%dma_wait3A_142, %dma_wait3A_143] : memref<8200x512xf32, #tpu.memory_space<hbm>> -> memref<8200x512xf32, #tpu.memory_space<hbm>>
    tpu.wait_indirect_dma semaphore(%arg10 : memref<!tpu.dma_semaphore, #tpu.memory_space<semaphore_mem>>) src(%dma_wait3A_144 : memref<8200x512xf32, #tpu.memory_space<hbm>>) dst(%dma_wait3A_139 : memref<32x512xf32, #tpu.memory_space<vmem>>)
    %add3A_145 = arith.constant 32 : i32
    %add3A_146 = arith.addi %mul3A_2, %add3A_145 : i32
    %dma_start3A_147 = arith.constant 1 : i32
    %dma_start3A_148 = arith.constant 0 : i32
    %dma_start3A_149 = arith.constant 0 : i32
    %dma_start3A_150 = tpu.memref_slice %arg6[%dma_start3A_147, %dma_start3A_148, %dma_start3A_149] : memref<6x32x512xf32, #tpu.memory_space<vmem>> -> memref<1x32x512xf32, #tpu.memory_space<vmem>>
    %dma_start3A_151 = tpu.memref_squeeze %dma_start3A_150 : memref<1x32x512xf32, #tpu.memory_space<vmem>> -> memref<32x512xf32, #tpu.memory_space<vmem>>
    %dma_start3A_152 = arith.constant 0 : i32
    %dma_start3A_153 = tpu.memref_slice %arg4[%add3A_146, %dma_start3A_152] : memref<16384x512xf32, #tpu.memory_space<hbm>> -> memref<32x512xf32, #tpu.memory_space<hbm>>
    %dma_start3A_154 = arith.constant 0 : i32
    %dma_start3A_155 = tpu.memref_slice %arg4[%add3A_146, %dma_start3A_154] : memref<16384x512xf32, #tpu.memory_space<hbm>> -> memref<32x512xf32, #tpu.memory_space<hbm>>
    %dma_start3A_156 = arith.constant 0 : i32
    %dma_start3A_157 = arith.constant 0 : i32
    %dma_start3A_158 = tpu.memref_slice %arg6[%dma_start3A_147, %dma_start3A_156, %dma_start3A_157] : memref<6x32x512xf32, #tpu.memory_space<vmem>> -> memref<1x32x512xf32, #tpu.memory_space<vmem>>
    %dma_start3A_159 = tpu.memref_squeeze %dma_start3A_158 : memref<1x32x512xf32, #tpu.memory_space<vmem>> -> memref<32x512xf32, #tpu.memory_space<vmem>>
    tpu.enqueue_dma source(%dma_start3A_159 : memref<32x512xf32, #tpu.memory_space<vmem>>) target(%dma_start3A_155 : memref<32x512xf32, #tpu.memory_space<hbm>>) target_semaphore(%arg16 : memref<!tpu.dma_semaphore, #tpu.memory_space<semaphore_mem>>)
    %dma_wait3A_160 = arith.constant 1 : i32
    %dma_wait3A_161 = arith.constant 0 : i32
    %dma_wait3A_162 = arith.constant 0 : i32
    %dma_wait3A_163 = tpu.memref_slice %arg6[%dma_wait3A_160, %dma_wait3A_161, %dma_wait3A_162] : memref<6x32x512xf32, #tpu.memory_space<vmem>> -> memref<1x32x512xf32, #tpu.memory_space<vmem>>
    %dma_wait3A_164 = tpu.memref_squeeze %dma_wait3A_163 : memref<1x32x512xf32, #tpu.memory_space<vmem>> -> memref<32x512xf32, #tpu.memory_space<vmem>>
    %dma_wait3A_165 = arith.constant 0 : i32
    %dma_wait3A_166 = tpu.memref_slice %arg4[%add3A_146, %dma_wait3A_165] : memref<16384x512xf32, #tpu.memory_space<hbm>> -> memref<32x512xf32, #tpu.memory_space<hbm>>
    %dma_wait3A_167 = arith.constant 0 : i32
    %dma_wait3A_168 = tpu.memref_slice %arg4[%add3A_146, %dma_wait3A_167] : memref<16384x512xf32, #tpu.memory_space<hbm>> -> memref<32x512xf32, #tpu.memory_space<hbm>>
    %dma_wait3A_169 = arith.constant 0 : i32
    %dma_wait3A_170 = arith.constant 0 : i32
    %dma_wait3A_171 = tpu.memref_slice %arg6[%dma_wait3A_160, %dma_wait3A_169, %dma_wait3A_170] : memref<6x32x512xf32, #tpu.memory_space<vmem>> -> memref<1x32x512xf32, #tpu.memory_space<vmem>>
    %dma_wait3A_172 = tpu.memref_squeeze %dma_wait3A_171 : memref<1x32x512xf32, #tpu.memory_space<vmem>> -> memref<32x512xf32, #tpu.memory_space<vmem>>
    tpu.wait_dma2 semaphore(%arg16 : memref<!tpu.dma_semaphore, #tpu.memory_space<semaphore_mem>>) src(%dma_wait3A_172 : memref<32x512xf32, #tpu.memory_space<vmem>>) dst(%dma_wait3A_168 : memref<32x512xf32, #tpu.memory_space<hbm>>)
    %dma_start3A_173 = arith.constant 1 : i32
    %dma_start3A_174 = arith.constant 0 : i32
    %dma_start3A_175 = arith.constant 0 : i32
    %dma_start3A_176 = tpu.memref_slice %arg6[%dma_start3A_173, %dma_start3A_174, %dma_start3A_175] : memref<6x32x512xf32, #tpu.memory_space<vmem>> -> memref<1x32x512xf32, #tpu.memory_space<vmem>>
    %dma_start3A_177 = tpu.memref_squeeze %dma_start3A_176 : memref<1x32x512xf32, #tpu.memory_space<vmem>> -> memref<32x512xf32, #tpu.memory_space<vmem>>
    %dma_start3A_178 = arith.constant 224 : i32
    %dma_start3A_179 = tpu.memref_slice %arg5[%dma_start3A_178] : memref<512xi32, #tpu.memory_space<vmem>> -> memref<32xi32, #tpu.memory_space<vmem>>
    %dma_start3A_180 = arith.constant 0 : i32
    %dma_start3A_181 = arith.constant 0 : i32
    %dma_start3A_182 = tpu.memref_slice %arg3[%dma_start3A_180, %dma_start3A_181] : memref<8200x512xf32, #tpu.memory_space<hbm>> -> memref<8200x512xf32, #tpu.memory_space<hbm>>
    tpu.enqueue_indirect_dma source(%dma_start3A_182 : memref<8200x512xf32, #tpu.memory_space<hbm>>) target(%dma_start3A_177 : memref<32x512xf32, #tpu.memory_space<vmem>>) offsets(%dma_start3A_179 : memref<32xi32, #tpu.memory_space<vmem>>) semaphore(%arg10 : memref<!tpu.dma_semaphore, #tpu.memory_space<semaphore_mem>>)
    %dma_wait3A_183 = arith.constant 2 : i32
    %dma_wait3A_184 = arith.constant 0 : i32
    %dma_wait3A_185 = arith.constant 0 : i32
    %dma_wait3A_186 = tpu.memref_slice %arg6[%dma_wait3A_183, %dma_wait3A_184, %dma_wait3A_185] : memref<6x32x512xf32, #tpu.memory_space<vmem>> -> memref<1x32x512xf32, #tpu.memory_space<vmem>>
    %dma_wait3A_187 = tpu.memref_squeeze %dma_wait3A_186 : memref<1x32x512xf32, #tpu.memory_space<vmem>> -> memref<32x512xf32, #tpu.memory_space<vmem>>
    %dma_wait3A_188 = arith.constant 64 : i32
    %dma_wait3A_189 = tpu.memref_slice %arg5[%dma_wait3A_188] : memref<512xi32, #tpu.memory_space<vmem>> -> memref<32xi32, #tpu.memory_space<vmem>>
    %dma_wait3A_190 = arith.constant 0 : i32
    %dma_wait3A_191 = arith.constant 0 : i32
    %dma_wait3A_192 = tpu.memref_slice %arg3[%dma_wait3A_190, %dma_wait3A_191] : memref<8200x512xf32, #tpu.memory_space<hbm>> -> memref<8200x512xf32, #tpu.memory_space<hbm>>
    tpu.wait_indirect_dma semaphore(%arg11 : memref<!tpu.dma_semaphore, #tpu.memory_space<semaphore_mem>>) src(%dma_wait3A_192 : memref<8200x512xf32, #tpu.memory_space<hbm>>) dst(%dma_wait3A_187 : memref<32x512xf32, #tpu.memory_space<vmem>>)
    %add3A_193 = arith.constant 64 : i32
    %add3A_194 = arith.addi %mul3A_2, %add3A_193 : i32
    %dma_start3A_195 = arith.constant 2 : i32
    %dma_start3A_196 = arith.constant 0 : i32
    %dma_start3A_197 = arith.constant 0 : i32
    %dma_start3A_198 = tpu.memref_slice %arg6[%dma_start3A_195, %dma_start3A_196, %dma_start3A_197] : memref<6x32x512xf32, #tpu.memory_space<vmem>> -> memref<1x32x512xf32, #tpu.memory_space<vmem>>
    %dma_start3A_199 = tpu.memref_squeeze %dma_start3A_198 : memref<1x32x512xf32, #tpu.memory_space<vmem>> -> memref<32x512xf32, #tpu.memory_space<vmem>>
    %dma_start3A_200 = arith.constant 0 : i32
    %dma_start3A_201 = tpu.memref_slice %arg4[%add3A_194, %dma_start3A_200] : memref<16384x512xf32, #tpu.memory_space<hbm>> -> memref<32x512xf32, #tpu.memory_space<hbm>>
    %dma_start3A_202 = arith.constant 0 : i32
    %dma_start3A_203 = tpu.memref_slice %arg4[%add3A_194, %dma_start3A_202] : memref<16384x512xf32, #tpu.memory_space<hbm>> -> memref<32x512xf32, #tpu.memory_space<hbm>>
    %dma_start3A_204 = arith.constant 0 : i32
    %dma_start3A_205 = arith.constant 0 : i32
    %dma_start3A_206 = tpu.memref_slice %arg6[%dma_start3A_195, %dma_start3A_204, %dma_start3A_205] : memref<6x32x512xf32, #tpu.memory_space<vmem>> -> memref<1x32x512xf32, #tpu.memory_space<vmem>>
    %dma_start3A_207 = tpu.memref_squeeze %dma_start3A_206 : memref<1x32x512xf32, #tpu.memory_space<vmem>> -> memref<32x512xf32, #tpu.memory_space<vmem>>
    tpu.enqueue_dma source(%dma_start3A_207 : memref<32x512xf32, #tpu.memory_space<vmem>>) target(%dma_start3A_203 : memref<32x512xf32, #tpu.memory_space<hbm>>) target_semaphore(%arg17 : memref<!tpu.dma_semaphore, #tpu.memory_space<semaphore_mem>>)
    %dma_wait3A_208 = arith.constant 2 : i32
    %dma_wait3A_209 = arith.constant 0 : i32
    %dma_wait3A_210 = arith.constant 0 : i32
    %dma_wait3A_211 = tpu.memref_slice %arg6[%dma_wait3A_208, %dma_wait3A_209, %dma_wait3A_210] : memref<6x32x512xf32, #tpu.memory_space<vmem>> -> memref<1x32x512xf32, #tpu.memory_space<vmem>>
    %dma_wait3A_212 = tpu.memref_squeeze %dma_wait3A_211 : memref<1x32x512xf32, #tpu.memory_space<vmem>> -> memref<32x512xf32, #tpu.memory_space<vmem>>
    %dma_wait3A_213 = arith.constant 0 : i32
    %dma_wait3A_214 = tpu.memref_slice %arg4[%add3A_194, %dma_wait3A_213] : memref<16384x512xf32, #tpu.memory_space<hbm>> -> memref<32x512xf32, #tpu.memory_space<hbm>>
    %dma_wait3A_215 = arith.constant 0 : i32
    %dma_wait3A_216 = tpu.memref_slice %arg4[%add3A_194, %dma_wait3A_215] : memref<16384x512xf32, #tpu.memory_space<hbm>> -> memref<32x512xf32, #tpu.memory_space<hbm>>
    %dma_wait3A_217 = arith.constant 0 : i32
    %dma_wait3A_218 = arith.constant 0 : i32
    %dma_wait3A_219 = tpu.memref_slice %arg6[%dma_wait3A_208, %dma_wait3A_217, %dma_wait3A_218] : memref<6x32x512xf32, #tpu.memory_space<vmem>> -> memref<1x32x512xf32, #tpu.memory_space<vmem>>
    %dma_wait3A_220 = tpu.memref_squeeze %dma_wait3A_219 : memref<1x32x512xf32, #tpu.memory_space<vmem>> -> memref<32x512xf32, #tpu.memory_space<vmem>>
    tpu.wait_dma2 semaphore(%arg17 : memref<!tpu.dma_semaphore, #tpu.memory_space<semaphore_mem>>) src(%dma_wait3A_220 : memref<32x512xf32, #tpu.memory_space<vmem>>) dst(%dma_wait3A_216 : memref<32x512xf32, #tpu.memory_space<hbm>>)
    %dma_start3A_221 = arith.constant 2 : i32
    %dma_start3A_222 = arith.constant 0 : i32
    %dma_start3A_223 = arith.constant 0 : i32
    %dma_start3A_224 = tpu.memref_slice %arg6[%dma_start3A_221, %dma_start3A_222, %dma_start3A_223] : memref<6x32x512xf32, #tpu.memory_space<vmem>> -> memref<1x32x512xf32, #tpu.memory_space<vmem>>
    %dma_start3A_225 = tpu.memref_squeeze %dma_start3A_224 : memref<1x32x512xf32, #tpu.memory_space<vmem>> -> memref<32x512xf32, #tpu.memory_space<vmem>>
    %dma_start3A_226 = arith.constant 256 : i32
    %dma_start3A_227 = tpu.memref_slice %arg5[%dma_start3A_226] : memref<512xi32, #tpu.memory_space<vmem>> -> memref<32xi32, #tpu.memory_space<vmem>>
    %dma_start3A_228 = arith.constant 0 : i32
    %dma_start3A_229 = arith.constant 0 : i32
    %dma_start3A_230 = tpu.memref_slice %arg3[%dma_start3A_228, %dma_start3A_229] : memref<8200x512xf32, #tpu.memory_space<hbm>> -> memref<8200x512xf32, #tpu.memory_space<hbm>>
    tpu.enqueue_indirect_dma source(%dma_start3A_230 : memref<8200x512xf32, #tpu.memory_space<hbm>>) target(%dma_start3A_225 : memref<32x512xf32, #tpu.memory_space<vmem>>) offsets(%dma_start3A_227 : memref<32xi32, #tpu.memory_space<vmem>>) semaphore(%arg11 : memref<!tpu.dma_semaphore, #tpu.memory_space<semaphore_mem>>)
    %dma_wait3A_231 = arith.constant 3 : i32
    %dma_wait3A_232 = arith.constant 0 : i32
    %dma_wait3A_233 = arith.constant 0 : i32
    %dma_wait3A_234 = tpu.memref_slice %arg6[%dma_wait3A_231, %dma_wait3A_232, %dma_wait3A_233] : memref<6x32x512xf32, #tpu.memory_space<vmem>> -> memref<1x32x512xf32, #tpu.memory_space<vmem>>
    %dma_wait3A_235 = tpu.memref_squeeze %dma_wait3A_234 : memref<1x32x512xf32, #tpu.memory_space<vmem>> -> memref<32x512xf32, #tpu.memory_space<vmem>>
    %dma_wait3A_236 = arith.constant 96 : i32
    %dma_wait3A_237 = tpu.memref_slice %arg5[%dma_wait3A_236] : memref<512xi32, #tpu.memory_space<vmem>> -> memref<32xi32, #tpu.memory_space<vmem>>
    %dma_wait3A_238 = arith.constant 0 : i32
    %dma_wait3A_239 = arith.constant 0 : i32
    %dma_wait3A_240 = tpu.memref_slice %arg3[%dma_wait3A_238, %dma_wait3A_239] : memref<8200x512xf32, #tpu.memory_space<hbm>> -> memref<8200x512xf32, #tpu.memory_space<hbm>>
    tpu.wait_indirect_dma semaphore(%arg12 : memref<!tpu.dma_semaphore, #tpu.memory_space<semaphore_mem>>) src(%dma_wait3A_240 : memref<8200x512xf32, #tpu.memory_space<hbm>>) dst(%dma_wait3A_235 : memref<32x512xf32, #tpu.memory_space<vmem>>)
    %add3A_241 = arith.constant 96 : i32
    %add3A_242 = arith.addi %mul3A_2, %add3A_241 : i32
    %dma_start3A_243 = arith.constant 3 : i32
    %dma_start3A_244 = arith.constant 0 : i32
    %dma_start3A_245 = arith.constant 0 : i32
    %dma_start3A_246 = tpu.memref_slice %arg6[%dma_start3A_243, %dma_start3A_244, %dma_start3A_245] : memref<6x32x512xf32, #tpu.memory_space<vmem>> -> memref<1x32x512xf32, #tpu.memory_space<vmem>>
    %dma_start3A_247 = tpu.memref_squeeze %dma_start3A_246 : memref<1x32x512xf32, #tpu.memory_space<vmem>> -> memref<32x512xf32, #tpu.memory_space<vmem>>
    %dma_start3A_248 = arith.constant 0 : i32
    %dma_start3A_249 = tpu.memref_slice %arg4[%add3A_242, %dma_start3A_248] : memref<16384x512xf32, #tpu.memory_space<hbm>> -> memref<32x512xf32, #tpu.memory_space<hbm>>
    %dma_start3A_250 = arith.constant 0 : i32
    %dma_start3A_251 = tpu.memref_slice %arg4[%add3A_242, %dma_start3A_250] : memref<16384x512xf32, #tpu.memory_space<hbm>> -> memref<32x512xf32, #tpu.memory_space<hbm>>
    %dma_start3A_252 = arith.constant 0 : i32
    %dma_start3A_253 = arith.constant 0 : i32
    %dma_start3A_254 = tpu.memref_slice %arg6[%dma_start3A_243, %dma_start3A_252, %dma_start3A_253] : memref<6x32x512xf32, #tpu.memory_space<vmem>> -> memref<1x32x512xf32, #tpu.memory_space<vmem>>
    %dma_start3A_255 = tpu.memref_squeeze %dma_start3A_254 : memref<1x32x512xf32, #tpu.memory_space<vmem>> -> memref<32x512xf32, #tpu.memory_space<vmem>>
    tpu.enqueue_dma source(%dma_start3A_255 : memref<32x512xf32, #tpu.memory_space<vmem>>) target(%dma_start3A_251 : memref<32x512xf32, #tpu.memory_space<hbm>>) target_semaphore(%arg18 : memref<!tpu.dma_semaphore, #tpu.memory_space<semaphore_mem>>)
    %dma_wait3A_256 = arith.constant 3 : i32
    %dma_wait3A_257 = arith.constant 0 : i32
    %dma_wait3A_258 = arith.constant 0 : i32
    %dma_wait3A_259 = tpu.memref_slice %arg6[%dma_wait3A_256, %dma_wait3A_257, %dma_wait3A_258] : memref<6x32x512xf32, #tpu.memory_space<vmem>> -> memref<1x32x512xf32, #tpu.memory_space<vmem>>
    %dma_wait3A_260 = tpu.memref_squeeze %dma_wait3A_259 : memref<1x32x512xf32, #tpu.memory_space<vmem>> -> memref<32x512xf32, #tpu.memory_space<vmem>>
    %dma_wait3A_261 = arith.constant 0 : i32
    %dma_wait3A_262 = tpu.memref_slice %arg4[%add3A_242, %dma_wait3A_261] : memref<16384x512xf32, #tpu.memory_space<hbm>> -> memref<32x512xf32, #tpu.memory_space<hbm>>
    %dma_wait3A_263 = arith.constant 0 : i32
    %dma_wait3A_264 = tpu.memref_slice %arg4[%add3A_242, %dma_wait3A_263] : memref<16384x512xf32, #tpu.memory_space<hbm>> -> memref<32x512xf32, #tpu.memory_space<hbm>>
    %dma_wait3A_265 = arith.constant 0 : i32
    %dma_wait3A_266 = arith.constant 0 : i32
    %dma_wait3A_267 = tpu.memref_slice %arg6[%dma_wait3A_256, %dma_wait3A_265, %dma_wait3A_266] : memref<6x32x512xf32, #tpu.memory_space<vmem>> -> memref<1x32x512xf32, #tpu.memory_space<vmem>>
    %dma_wait3A_268 = tpu.memref_squeeze %dma_wait3A_267 : memref<1x32x512xf32, #tpu.memory_space<vmem>> -> memref<32x512xf32, #tpu.memory_space<vmem>>
    tpu.wait_dma2 semaphore(%arg18 : memref<!tpu.dma_semaphore, #tpu.memory_space<semaphore_mem>>) src(%dma_wait3A_268 : memref<32x512xf32, #tpu.memory_space<vmem>>) dst(%dma_wait3A_264 : memref<32x512xf32, #tpu.memory_space<hbm>>)
    %dma_start3A_269 = arith.constant 3 : i32
    %dma_start3A_270 = arith.constant 0 : i32
    %dma_start3A_271 = arith.constant 0 : i32
    %dma_start3A_272 = tpu.memref_slice %arg6[%dma_start3A_269, %dma_start3A_270, %dma_start3A_271] : memref<6x32x512xf32, #tpu.memory_space<vmem>> -> memref<1x32x512xf32, #tpu.memory_space<vmem>>
    %dma_start3A_273 = tpu.memref_squeeze %dma_start3A_272 : memref<1x32x512xf32, #tpu.memory_space<vmem>> -> memref<32x512xf32, #tpu.memory_space<vmem>>
    %dma_start3A_274 = arith.constant 288 : i32
    %dma_start3A_275 = tpu.memref_slice %arg5[%dma_start3A_274] : memref<512xi32, #tpu.memory_space<vmem>> -> memref<32xi32, #tpu.memory_space<vmem>>
    %dma_start3A_276 = arith.constant 0 : i32
    %dma_start3A_277 = arith.constant 0 : i32
    %dma_start3A_278 = tpu.memref_slice %arg3[%dma_start3A_276, %dma_start3A_277] : memref<8200x512xf32, #tpu.memory_space<hbm>> -> memref<8200x512xf32, #tpu.memory_space<hbm>>
    tpu.enqueue_indirect_dma source(%dma_start3A_278 : memref<8200x512xf32, #tpu.memory_space<hbm>>) target(%dma_start3A_273 : memref<32x512xf32, #tpu.memory_space<vmem>>) offsets(%dma_start3A_275 : memref<32xi32, #tpu.memory_space<vmem>>) semaphore(%arg12 : memref<!tpu.dma_semaphore, #tpu.memory_space<semaphore_mem>>)
    %dma_wait3A_279 = arith.constant 4 : i32
    %dma_wait3A_280 = arith.constant 0 : i32
    %dma_wait3A_281 = arith.constant 0 : i32
    %dma_wait3A_282 = tpu.memref_slice %arg6[%dma_wait3A_279, %dma_wait3A_280, %dma_wait3A_281] : memref<6x32x512xf32, #tpu.memory_space<vmem>> -> memref<1x32x512xf32, #tpu.memory_space<vmem>>
    %dma_wait3A_283 = tpu.memref_squeeze %dma_wait3A_282 : memref<1x32x512xf32, #tpu.memory_space<vmem>> -> memref<32x512xf32, #tpu.memory_space<vmem>>
    %dma_wait3A_284 = arith.constant 128 : i32
    %dma_wait3A_285 = tpu.memref_slice %arg5[%dma_wait3A_284] : memref<512xi32, #tpu.memory_space<vmem>> -> memref<32xi32, #tpu.memory_space<vmem>>
    %dma_wait3A_286 = arith.constant 0 : i32
    %dma_wait3A_287 = arith.constant 0 : i32
    %dma_wait3A_288 = tpu.memref_slice %arg3[%dma_wait3A_286, %dma_wait3A_287] : memref<8200x512xf32, #tpu.memory_space<hbm>> -> memref<8200x512xf32, #tpu.memory_space<hbm>>
    tpu.wait_indirect_dma semaphore(%arg13 : memref<!tpu.dma_semaphore, #tpu.memory_space<semaphore_mem>>) src(%dma_wait3A_288 : memref<8200x512xf32, #tpu.memory_space<hbm>>) dst(%dma_wait3A_283 : memref<32x512xf32, #tpu.memory_space<vmem>>)
    %add3A_289 = arith.constant 128 : i32
    %add3A_290 = arith.addi %mul3A_2, %add3A_289 : i32
    %dma_start3A_291 = arith.constant 4 : i32
    %dma_start3A_292 = arith.constant 0 : i32
    %dma_start3A_293 = arith.constant 0 : i32
    %dma_start3A_294 = tpu.memref_slice %arg6[%dma_start3A_291, %dma_start3A_292, %dma_start3A_293] : memref<6x32x512xf32, #tpu.memory_space<vmem>> -> memref<1x32x512xf32, #tpu.memory_space<vmem>>
    %dma_start3A_295 = tpu.memref_squeeze %dma_start3A_294 : memref<1x32x512xf32, #tpu.memory_space<vmem>> -> memref<32x512xf32, #tpu.memory_space<vmem>>
    %dma_start3A_296 = arith.constant 0 : i32
    %dma_start3A_297 = tpu.memref_slice %arg4[%add3A_290, %dma_start3A_296] : memref<16384x512xf32, #tpu.memory_space<hbm>> -> memref<32x512xf32, #tpu.memory_space<hbm>>
    %dma_start3A_298 = arith.constant 0 : i32
    %dma_start3A_299 = tpu.memref_slice %arg4[%add3A_290, %dma_start3A_298] : memref<16384x512xf32, #tpu.memory_space<hbm>> -> memref<32x512xf32, #tpu.memory_space<hbm>>
    %dma_start3A_300 = arith.constant 0 : i32
    %dma_start3A_301 = arith.constant 0 : i32
    %dma_start3A_302 = tpu.memref_slice %arg6[%dma_start3A_291, %dma_start3A_300, %dma_start3A_301] : memref<6x32x512xf32, #tpu.memory_space<vmem>> -> memref<1x32x512xf32, #tpu.memory_space<vmem>>
    %dma_start3A_303 = tpu.memref_squeeze %dma_start3A_302 : memref<1x32x512xf32, #tpu.memory_space<vmem>> -> memref<32x512xf32, #tpu.memory_space<vmem>>
    tpu.enqueue_dma source(%dma_start3A_303 : memref<32x512xf32, #tpu.memory_space<vmem>>) target(%dma_start3A_299 : memref<32x512xf32, #tpu.memory_space<hbm>>) target_semaphore(%arg19 : memref<!tpu.dma_semaphore, #tpu.memory_space<semaphore_mem>>)
    %dma_wait3A_304 = arith.constant 4 : i32
    %dma_wait3A_305 = arith.constant 0 : i32
    %dma_wait3A_306 = arith.constant 0 : i32
    %dma_wait3A_307 = tpu.memref_slice %arg6[%dma_wait3A_304, %dma_wait3A_305, %dma_wait3A_306] : memref<6x32x512xf32, #tpu.memory_space<vmem>> -> memref<1x32x512xf32, #tpu.memory_space<vmem>>
    %dma_wait3A_308 = tpu.memref_squeeze %dma_wait3A_307 : memref<1x32x512xf32, #tpu.memory_space<vmem>> -> memref<32x512xf32, #tpu.memory_space<vmem>>
    %dma_wait3A_309 = arith.constant 0 : i32
    %dma_wait3A_310 = tpu.memref_slice %arg4[%add3A_290, %dma_wait3A_309] : memref<16384x512xf32, #tpu.memory_space<hbm>> -> memref<32x512xf32, #tpu.memory_space<hbm>>
    %dma_wait3A_311 = arith.constant 0 : i32
    %dma_wait3A_312 = tpu.memref_slice %arg4[%add3A_290, %dma_wait3A_311] : memref<16384x512xf32, #tpu.memory_space<hbm>> -> memref<32x512xf32, #tpu.memory_space<hbm>>
    %dma_wait3A_313 = arith.constant 0 : i32
    %dma_wait3A_314 = arith.constant 0 : i32
    %dma_wait3A_315 = tpu.memref_slice %arg6[%dma_wait3A_304, %dma_wait3A_313, %dma_wait3A_314] : memref<6x32x512xf32, #tpu.memory_space<vmem>> -> memref<1x32x512xf32, #tpu.memory_space<vmem>>
    %dma_wait3A_316 = tpu.memref_squeeze %dma_wait3A_315 : memref<1x32x512xf32, #tpu.memory_space<vmem>> -> memref<32x512xf32, #tpu.memory_space<vmem>>
    tpu.wait_dma2 semaphore(%arg19 : memref<!tpu.dma_semaphore, #tpu.memory_space<semaphore_mem>>) src(%dma_wait3A_316 : memref<32x512xf32, #tpu.memory_space<vmem>>) dst(%dma_wait3A_312 : memref<32x512xf32, #tpu.memory_space<hbm>>)
    %dma_start3A_317 = arith.constant 4 : i32
    %dma_start3A_318 = arith.constant 0 : i32
    %dma_start3A_319 = arith.constant 0 : i32
    %dma_start3A_320 = tpu.memref_slice %arg6[%dma_start3A_317, %dma_start3A_318, %dma_start3A_319] : memref<6x32x512xf32, #tpu.memory_space<vmem>> -> memref<1x32x512xf32, #tpu.memory_space<vmem>>
    %dma_start3A_321 = tpu.memref_squeeze %dma_start3A_320 : memref<1x32x512xf32, #tpu.memory_space<vmem>> -> memref<32x512xf32, #tpu.memory_space<vmem>>
    %dma_start3A_322 = arith.constant 320 : i32
    %dma_start3A_323 = tpu.memref_slice %arg5[%dma_start3A_322] : memref<512xi32, #tpu.memory_space<vmem>> -> memref<32xi32, #tpu.memory_space<vmem>>
    %dma_start3A_324 = arith.constant 0 : i32
    %dma_start3A_325 = arith.constant 0 : i32
    %dma_start3A_326 = tpu.memref_slice %arg3[%dma_start3A_324, %dma_start3A_325] : memref<8200x512xf32, #tpu.memory_space<hbm>> -> memref<8200x512xf32, #tpu.memory_space<hbm>>
    tpu.enqueue_indirect_dma source(%dma_start3A_326 : memref<8200x512xf32, #tpu.memory_space<hbm>>) target(%dma_start3A_321 : memref<32x512xf32, #tpu.memory_space<vmem>>) offsets(%dma_start3A_323 : memref<32xi32, #tpu.memory_space<vmem>>) semaphore(%arg13 : memref<!tpu.dma_semaphore, #tpu.memory_space<semaphore_mem>>)
    %dma_wait3A_327 = arith.constant 5 : i32
    %dma_wait3A_328 = arith.constant 0 : i32
    %dma_wait3A_329 = arith.constant 0 : i32
    %dma_wait3A_330 = tpu.memref_slice %arg6[%dma_wait3A_327, %dma_wait3A_328, %dma_wait3A_329] : memref<6x32x512xf32, #tpu.memory_space<vmem>> -> memref<1x32x512xf32, #tpu.memory_space<vmem>>
    %dma_wait3A_331 = tpu.memref_squeeze %dma_wait3A_330 : memref<1x32x512xf32, #tpu.memory_space<vmem>> -> memref<32x512xf32, #tpu.memory_space<vmem>>
    %dma_wait3A_332 = arith.constant 160 : i32
    %dma_wait3A_333 = tpu.memref_slice %arg5[%dma_wait3A_332] : memref<512xi32, #tpu.memory_space<vmem>> -> memref<32xi32, #tpu.memory_space<vmem>>
    %dma_wait3A_334 = arith.constant 0 : i32
    %dma_wait3A_335 = arith.constant 0 : i32
    %dma_wait3A_336 = tpu.memref_slice %arg3[%dma_wait3A_334, %dma_wait3A_335] : memref<8200x512xf32, #tpu.memory_space<hbm>> -> memref<8200x512xf32, #tpu.memory_space<hbm>>
    tpu.wait_indirect_dma semaphore(%arg14 : memref<!tpu.dma_semaphore, #tpu.memory_space<semaphore_mem>>) src(%dma_wait3A_336 : memref<8200x512xf32, #tpu.memory_space<hbm>>) dst(%dma_wait3A_331 : memref<32x512xf32, #tpu.memory_space<vmem>>)
    %add3A_337 = arith.constant 160 : i32
    %add3A_338 = arith.addi %mul3A_2, %add3A_337 : i32
    %dma_start3A_339 = arith.constant 5 : i32
    %dma_start3A_340 = arith.constant 0 : i32
    %dma_start3A_341 = arith.constant 0 : i32
    %dma_start3A_342 = tpu.memref_slice %arg6[%dma_start3A_339, %dma_start3A_340, %dma_start3A_341] : memref<6x32x512xf32, #tpu.memory_space<vmem>> -> memref<1x32x512xf32, #tpu.memory_space<vmem>>
    %dma_start3A_343 = tpu.memref_squeeze %dma_start3A_342 : memref<1x32x512xf32, #tpu.memory_space<vmem>> -> memref<32x512xf32, #tpu.memory_space<vmem>>
    %dma_start3A_344 = arith.constant 0 : i32
    %dma_start3A_345 = tpu.memref_slice %arg4[%add3A_338, %dma_start3A_344] : memref<16384x512xf32, #tpu.memory_space<hbm>> -> memref<32x512xf32, #tpu.memory_space<hbm>>
    %dma_start3A_346 = arith.constant 0 : i32
    %dma_start3A_347 = tpu.memref_slice %arg4[%add3A_338, %dma_start3A_346] : memref<16384x512xf32, #tpu.memory_space<hbm>> -> memref<32x512xf32, #tpu.memory_space<hbm>>
    %dma_start3A_348 = arith.constant 0 : i32
    %dma_start3A_349 = arith.constant 0 : i32
    %dma_start3A_350 = tpu.memref_slice %arg6[%dma_start3A_339, %dma_start3A_348, %dma_start3A_349] : memref<6x32x512xf32, #tpu.memory_space<vmem>> -> memref<1x32x512xf32, #tpu.memory_space<vmem>>
    %dma_start3A_351 = tpu.memref_squeeze %dma_start3A_350 : memref<1x32x512xf32, #tpu.memory_space<vmem>> -> memref<32x512xf32, #tpu.memory_space<vmem>>
    tpu.enqueue_dma source(%dma_start3A_351 : memref<32x512xf32, #tpu.memory_space<vmem>>) target(%dma_start3A_347 : memref<32x512xf32, #tpu.memory_space<hbm>>) target_semaphore(%arg20 : memref<!tpu.dma_semaphore, #tpu.memory_space<semaphore_mem>>)
    %dma_wait3A_352 = arith.constant 5 : i32
    %dma_wait3A_353 = arith.constant 0 : i32
    %dma_wait3A_354 = arith.constant 0 : i32
    %dma_wait3A_355 = tpu.memref_slice %arg6[%dma_wait3A_352, %dma_wait3A_353, %dma_wait3A_354] : memref<6x32x512xf32, #tpu.memory_space<vmem>> -> memref<1x32x512xf32, #tpu.memory_space<vmem>>
    %dma_wait3A_356 = tpu.memref_squeeze %dma_wait3A_355 : memref<1x32x512xf32, #tpu.memory_space<vmem>> -> memref<32x512xf32, #tpu.memory_space<vmem>>
    %dma_wait3A_357 = arith.constant 0 : i32
    %dma_wait3A_358 = tpu.memref_slice %arg4[%add3A_338, %dma_wait3A_357] : memref<16384x512xf32, #tpu.memory_space<hbm>> -> memref<32x512xf32, #tpu.memory_space<hbm>>
    %dma_wait3A_359 = arith.constant 0 : i32
    %dma_wait3A_360 = tpu.memref_slice %arg4[%add3A_338, %dma_wait3A_359] : memref<16384x512xf32, #tpu.memory_space<hbm>> -> memref<32x512xf32, #tpu.memory_space<hbm>>
    %dma_wait3A_361 = arith.constant 0 : i32
    %dma_wait3A_362 = arith.constant 0 : i32
    %dma_wait3A_363 = tpu.memref_slice %arg6[%dma_wait3A_352, %dma_wait3A_361, %dma_wait3A_362] : memref<6x32x512xf32, #tpu.memory_space<vmem>> -> memref<1x32x512xf32, #tpu.memory_space<vmem>>
    %dma_wait3A_364 = tpu.memref_squeeze %dma_wait3A_363 : memref<1x32x512xf32, #tpu.memory_space<vmem>> -> memref<32x512xf32, #tpu.memory_space<vmem>>
    tpu.wait_dma2 semaphore(%arg20 : memref<!tpu.dma_semaphore, #tpu.memory_space<semaphore_mem>>) src(%dma_wait3A_364 : memref<32x512xf32, #tpu.memory_space<vmem>>) dst(%dma_wait3A_360 : memref<32x512xf32, #tpu.memory_space<hbm>>)
    %dma_start3A_365 = arith.constant 5 : i32
    %dma_start3A_366 = arith.constant 0 : i32
    %dma_start3A_367 = arith.constant 0 : i32
    %dma_start3A_368 = tpu.memref_slice %arg6[%dma_start3A_365, %dma_start3A_366, %dma_start3A_367] : memref<6x32x512xf32, #tpu.memory_space<vmem>> -> memref<1x32x512xf32, #tpu.memory_space<vmem>>
    %dma_start3A_369 = tpu.memref_squeeze %dma_start3A_368 : memref<1x32x512xf32, #tpu.memory_space<vmem>> -> memref<32x512xf32, #tpu.memory_space<vmem>>
    %dma_start3A_370 = arith.constant 352 : i32
    %dma_start3A_371 = tpu.memref_slice %arg5[%dma_start3A_370] : memref<512xi32, #tpu.memory_space<vmem>> -> memref<32xi32, #tpu.memory_space<vmem>>
    %dma_start3A_372 = arith.constant 0 : i32
    %dma_start3A_373 = arith.constant 0 : i32
    %dma_start3A_374 = tpu.memref_slice %arg3[%dma_start3A_372, %dma_start3A_373] : memref<8200x512xf32, #tpu.memory_space<hbm>> -> memref<8200x512xf32, #tpu.memory_space<hbm>>
    tpu.enqueue_indirect_dma source(%dma_start3A_374 : memref<8200x512xf32, #tpu.memory_space<hbm>>) target(%dma_start3A_369 : memref<32x512xf32, #tpu.memory_space<vmem>>) offsets(%dma_start3A_371 : memref<32xi32, #tpu.memory_space<vmem>>) semaphore(%arg14 : memref<!tpu.dma_semaphore, #tpu.memory_space<semaphore_mem>>)
    %dma_wait3A_375 = arith.constant 0 : i32
    %dma_wait3A_376 = arith.constant 0 : i32
    %dma_wait3A_377 = arith.constant 0 : i32
    %dma_wait3A_378 = tpu.memref_slice %arg6[%dma_wait3A_375, %dma_wait3A_376, %dma_wait3A_377] : memref<6x32x512xf32, #tpu.memory_space<vmem>> -> memref<1x32x512xf32, #tpu.memory_space<vmem>>
    %dma_wait3A_379 = tpu.memref_squeeze %dma_wait3A_378 : memref<1x32x512xf32, #tpu.memory_space<vmem>> -> memref<32x512xf32, #tpu.memory_space<vmem>>
    %dma_wait3A_380 = arith.constant 192 : i32
    %dma_wait3A_381 = tpu.memref_slice %arg5[%dma_wait3A_380] : memref<512xi32, #tpu.memory_space<vmem>> -> memref<32xi32, #tpu.memory_space<vmem>>
    %dma_wait3A_382 = arith.constant 0 : i32
    %dma_wait3A_383 = arith.constant 0 : i32
    %dma_wait3A_384 = tpu.memref_slice %arg3[%dma_wait3A_382, %dma_wait3A_383] : memref<8200x512xf32, #tpu.memory_space<hbm>> -> memref<8200x512xf32, #tpu.memory_space<hbm>>
    tpu.wait_indirect_dma semaphore(%arg9 : memref<!tpu.dma_semaphore, #tpu.memory_space<semaphore_mem>>) src(%dma_wait3A_384 : memref<8200x512xf32, #tpu.memory_space<hbm>>) dst(%dma_wait3A_379 : memref<32x512xf32, #tpu.memory_space<vmem>>)
    %add3A_385 = arith.constant 192 : i32
    %add3A_386 = arith.addi %mul3A_2, %add3A_385 : i32
    %dma_start3A_387 = arith.constant 0 : i32
    %dma_start3A_388 = arith.constant 0 : i32
    %dma_start3A_389 = arith.constant 0 : i32
    %dma_start3A_390 = tpu.memref_slice %arg6[%dma_start3A_387, %dma_start3A_388, %dma_start3A_389] : memref<6x32x512xf32, #tpu.memory_space<vmem>> -> memref<1x32x512xf32, #tpu.memory_space<vmem>>
    %dma_start3A_391 = tpu.memref_squeeze %dma_start3A_390 : memref<1x32x512xf32, #tpu.memory_space<vmem>> -> memref<32x512xf32, #tpu.memory_space<vmem>>
    %dma_start3A_392 = arith.constant 0 : i32
    %dma_start3A_393 = tpu.memref_slice %arg4[%add3A_386, %dma_start3A_392] : memref<16384x512xf32, #tpu.memory_space<hbm>> -> memref<32x512xf32, #tpu.memory_space<hbm>>
    %dma_start3A_394 = arith.constant 0 : i32
    %dma_start3A_395 = tpu.memref_slice %arg4[%add3A_386, %dma_start3A_394] : memref<16384x512xf32, #tpu.memory_space<hbm>> -> memref<32x512xf32, #tpu.memory_space<hbm>>
    %dma_start3A_396 = arith.constant 0 : i32
    %dma_start3A_397 = arith.constant 0 : i32
    %dma_start3A_398 = tpu.memref_slice %arg6[%dma_start3A_387, %dma_start3A_396, %dma_start3A_397] : memref<6x32x512xf32, #tpu.memory_space<vmem>> -> memref<1x32x512xf32, #tpu.memory_space<vmem>>
    %dma_start3A_399 = tpu.memref_squeeze %dma_start3A_398 : memref<1x32x512xf32, #tpu.memory_space<vmem>> -> memref<32x512xf32, #tpu.memory_space<vmem>>
    tpu.enqueue_dma source(%dma_start3A_399 : memref<32x512xf32, #tpu.memory_space<vmem>>) target(%dma_start3A_395 : memref<32x512xf32, #tpu.memory_space<hbm>>) target_semaphore(%arg15 : memref<!tpu.dma_semaphore, #tpu.memory_space<semaphore_mem>>)
    %dma_wait3A_400 = arith.constant 0 : i32
    %dma_wait3A_401 = arith.constant 0 : i32
    %dma_wait3A_402 = arith.constant 0 : i32
    %dma_wait3A_403 = tpu.memref_slice %arg6[%dma_wait3A_400, %dma_wait3A_401, %dma_wait3A_402] : memref<6x32x512xf32, #tpu.memory_space<vmem>> -> memref<1x32x512xf32, #tpu.memory_space<vmem>>
    %dma_wait3A_404 = tpu.memref_squeeze %dma_wait3A_403 : memref<1x32x512xf32, #tpu.memory_space<vmem>> -> memref<32x512xf32, #tpu.memory_space<vmem>>
    %dma_wait3A_405 = arith.constant 0 : i32
    %dma_wait3A_406 = tpu.memref_slice %arg4[%add3A_386, %dma_wait3A_405] : memref<16384x512xf32, #tpu.memory_space<hbm>> -> memref<32x512xf32, #tpu.memory_space<hbm>>
    %dma_wait3A_407 = arith.constant 0 : i32
    %dma_wait3A_408 = tpu.memref_slice %arg4[%add3A_386, %dma_wait3A_407] : memref<16384x512xf32, #tpu.memory_space<hbm>> -> memref<32x512xf32, #tpu.memory_space<hbm>>
    %dma_wait3A_409 = arith.constant 0 : i32
    %dma_wait3A_410 = arith.constant 0 : i32
    %dma_wait3A_411 = tpu.memref_slice %arg6[%dma_wait3A_400, %dma_wait3A_409, %dma_wait3A_410] : memref<6x32x512xf32, #tpu.memory_space<vmem>> -> memref<1x32x512xf32, #tpu.memory_space<vmem>>
    %dma_wait3A_412 = tpu.memref_squeeze %dma_wait3A_411 : memref<1x32x512xf32, #tpu.memory_space<vmem>> -> memref<32x512xf32, #tpu.memory_space<vmem>>
    tpu.wait_dma2 semaphore(%arg15 : memref<!tpu.dma_semaphore, #tpu.memory_space<semaphore_mem>>) src(%dma_wait3A_412 : memref<32x512xf32, #tpu.memory_space<vmem>>) dst(%dma_wait3A_408 : memref<32x512xf32, #tpu.memory_space<hbm>>)
    %dma_start3A_413 = arith.constant 0 : i32
    %dma_start3A_414 = arith.constant 0 : i32
    %dma_start3A_415 = arith.constant 0 : i32
    %dma_start3A_416 = tpu.memref_slice %arg6[%dma_start3A_413, %dma_start3A_414, %dma_start3A_415] : memref<6x32x512xf32, #tpu.memory_space<vmem>> -> memref<1x32x512xf32, #tpu.memory_space<vmem>>
    %dma_start3A_417 = tpu.memref_squeeze %dma_start3A_416 : memref<1x32x512xf32, #tpu.memory_space<vmem>> -> memref<32x512xf32, #tpu.memory_space<vmem>>
    %dma_start3A_418 = arith.constant 384 : i32
    %dma_start3A_419 = tpu.memref_slice %arg5[%dma_start3A_418] : memref<512xi32, #tpu.memory_space<vmem>> -> memref<32xi32, #tpu.memory_space<vmem>>
    %dma_start3A_420 = arith.constant 0 : i32
    %dma_start3A_421 = arith.constant 0 : i32
    %dma_start3A_422 = tpu.memref_slice %arg3[%dma_start3A_420, %dma_start3A_421] : memref<8200x512xf32, #tpu.memory_space<hbm>> -> memref<8200x512xf32, #tpu.memory_space<hbm>>
    tpu.enqueue_indirect_dma source(%dma_start3A_422 : memref<8200x512xf32, #tpu.memory_space<hbm>>) target(%dma_start3A_417 : memref<32x512xf32, #tpu.memory_space<vmem>>) offsets(%dma_start3A_419 : memref<32xi32, #tpu.memory_space<vmem>>) semaphore(%arg9 : memref<!tpu.dma_semaphore, #tpu.memory_space<semaphore_mem>>)
    %dma_wait3A_423 = arith.constant 1 : i32
    %dma_wait3A_424 = arith.constant 0 : i32
    %dma_wait3A_425 = arith.constant 0 : i32
    %dma_wait3A_426 = tpu.memref_slice %arg6[%dma_wait3A_423, %dma_wait3A_424, %dma_wait3A_425] : memref<6x32x512xf32, #tpu.memory_space<vmem>> -> memref<1x32x512xf32, #tpu.memory_space<vmem>>
    %dma_wait3A_427 = tpu.memref_squeeze %dma_wait3A_426 : memref<1x32x512xf32, #tpu.memory_space<vmem>> -> memref<32x512xf32, #tpu.memory_space<vmem>>
    %dma_wait3A_428 = arith.constant 224 : i32
    %dma_wait3A_429 = tpu.memref_slice %arg5[%dma_wait3A_428] : memref<512xi32, #tpu.memory_space<vmem>> -> memref<32xi32, #tpu.memory_space<vmem>>
    %dma_wait3A_430 = arith.constant 0 : i32
    %dma_wait3A_431 = arith.constant 0 : i32
    %dma_wait3A_432 = tpu.memref_slice %arg3[%dma_wait3A_430, %dma_wait3A_431] : memref<8200x512xf32, #tpu.memory_space<hbm>> -> memref<8200x512xf32, #tpu.memory_space<hbm>>
    tpu.wait_indirect_dma semaphore(%arg10 : memref<!tpu.dma_semaphore, #tpu.memory_space<semaphore_mem>>) src(%dma_wait3A_432 : memref<8200x512xf32, #tpu.memory_space<hbm>>) dst(%dma_wait3A_427 : memref<32x512xf32, #tpu.memory_space<vmem>>)
    %add3A_433 = arith.constant 224 : i32
    %add3A_434 = arith.addi %mul3A_2, %add3A_433 : i32
    %dma_start3A_435 = arith.constant 1 : i32
    %dma_start3A_436 = arith.constant 0 : i32
    %dma_start3A_437 = arith.constant 0 : i32
    %dma_start3A_438 = tpu.memref_slice %arg6[%dma_start3A_435, %dma_start3A_436, %dma_start3A_437] : memref<6x32x512xf32, #tpu.memory_space<vmem>> -> memref<1x32x512xf32, #tpu.memory_space<vmem>>
    %dma_start3A_439 = tpu.memref_squeeze %dma_start3A_438 : memref<1x32x512xf32, #tpu.memory_space<vmem>> -> memref<32x512xf32, #tpu.memory_space<vmem>>
    %dma_start3A_440 = arith.constant 0 : i32
    %dma_start3A_441 = tpu.memref_slice %arg4[%add3A_434, %dma_start3A_440] : memref<16384x512xf32, #tpu.memory_space<hbm>> -> memref<32x512xf32, #tpu.memory_space<hbm>>
    %dma_start3A_442 = arith.constant 0 : i32
    %dma_start3A_443 = tpu.memref_slice %arg4[%add3A_434, %dma_start3A_442] : memref<16384x512xf32, #tpu.memory_space<hbm>> -> memref<32x512xf32, #tpu.memory_space<hbm>>
    %dma_start3A_444 = arith.constant 0 : i32
    %dma_start3A_445 = arith.constant 0 : i32
    %dma_start3A_446 = tpu.memref_slice %arg6[%dma_start3A_435, %dma_start3A_444, %dma_start3A_445] : memref<6x32x512xf32, #tpu.memory_space<vmem>> -> memref<1x32x512xf32, #tpu.memory_space<vmem>>
    %dma_start3A_447 = tpu.memref_squeeze %dma_start3A_446 : memref<1x32x512xf32, #tpu.memory_space<vmem>> -> memref<32x512xf32, #tpu.memory_space<vmem>>
    tpu.enqueue_dma source(%dma_start3A_447 : memref<32x512xf32, #tpu.memory_space<vmem>>) target(%dma_start3A_443 : memref<32x512xf32, #tpu.memory_space<hbm>>) target_semaphore(%arg16 : memref<!tpu.dma_semaphore, #tpu.memory_space<semaphore_mem>>)
    %dma_wait3A_448 = arith.constant 1 : i32
    %dma_wait3A_449 = arith.constant 0 : i32
    %dma_wait3A_450 = arith.constant 0 : i32
    %dma_wait3A_451 = tpu.memref_slice %arg6[%dma_wait3A_448, %dma_wait3A_449, %dma_wait3A_450] : memref<6x32x512xf32, #tpu.memory_space<vmem>> -> memref<1x32x512xf32, #tpu.memory_space<vmem>>
    %dma_wait3A_452 = tpu.memref_squeeze %dma_wait3A_451 : memref<1x32x512xf32, #tpu.memory_space<vmem>> -> memref<32x512xf32, #tpu.memory_space<vmem>>
    %dma_wait3A_453 = arith.constant 0 : i32
    %dma_wait3A_454 = tpu.memref_slice %arg4[%add3A_434, %dma_wait3A_453] : memref<16384x512xf32, #tpu.memory_space<hbm>> -> memref<32x512xf32, #tpu.memory_space<hbm>>
    %dma_wait3A_455 = arith.constant 0 : i32
    %dma_wait3A_456 = tpu.memref_slice %arg4[%add3A_434, %dma_wait3A_455] : memref<16384x512xf32, #tpu.memory_space<hbm>> -> memref<32x512xf32, #tpu.memory_space<hbm>>
    %dma_wait3A_457 = arith.constant 0 : i32
    %dma_wait3A_458 = arith.constant 0 : i32
    %dma_wait3A_459 = tpu.memref_slice %arg6[%dma_wait3A_448, %dma_wait3A_457, %dma_wait3A_458] : memref<6x32x512xf32, #tpu.memory_space<vmem>> -> memref<1x32x512xf32, #tpu.memory_space<vmem>>
    %dma_wait3A_460 = tpu.memref_squeeze %dma_wait3A_459 : memref<1x32x512xf32, #tpu.memory_space<vmem>> -> memref<32x512xf32, #tpu.memory_space<vmem>>
    tpu.wait_dma2 semaphore(%arg16 : memref<!tpu.dma_semaphore, #tpu.memory_space<semaphore_mem>>) src(%dma_wait3A_460 : memref<32x512xf32, #tpu.memory_space<vmem>>) dst(%dma_wait3A_456 : memref<32x512xf32, #tpu.memory_space<hbm>>)
    %dma_start3A_461 = arith.constant 1 : i32
    %dma_start3A_462 = arith.constant 0 : i32
    %dma_start3A_463 = arith.constant 0 : i32
    %dma_start3A_464 = tpu.memref_slice %arg6[%dma_start3A_461, %dma_start3A_462, %dma_start3A_463] : memref<6x32x512xf32, #tpu.memory_space<vmem>> -> memref<1x32x512xf32, #tpu.memory_space<vmem>>
    %dma_start3A_465 = tpu.memref_squeeze %dma_start3A_464 : memref<1x32x512xf32, #tpu.memory_space<vmem>> -> memref<32x512xf32, #tpu.memory_space<vmem>>
    %dma_start3A_466 = arith.constant 416 : i32
    %dma_start3A_467 = tpu.memref_slice %arg5[%dma_start3A_466] : memref<512xi32, #tpu.memory_space<vmem>> -> memref<32xi32, #tpu.memory_space<vmem>>
    %dma_start3A_468 = arith.constant 0 : i32
    %dma_start3A_469 = arith.constant 0 : i32
    %dma_start3A_470 = tpu.memref_slice %arg3[%dma_start3A_468, %dma_start3A_469] : memref<8200x512xf32, #tpu.memory_space<hbm>> -> memref<8200x512xf32, #tpu.memory_space<hbm>>
    tpu.enqueue_indirect_dma source(%dma_start3A_470 : memref<8200x512xf32, #tpu.memory_space<hbm>>) target(%dma_start3A_465 : memref<32x512xf32, #tpu.memory_space<vmem>>) offsets(%dma_start3A_467 : memref<32xi32, #tpu.memory_space<vmem>>) semaphore(%arg10 : memref<!tpu.dma_semaphore, #tpu.memory_space<semaphore_mem>>)
    %dma_wait3A_471 = arith.constant 2 : i32
    %dma_wait3A_472 = arith.constant 0 : i32
    %dma_wait3A_473 = arith.constant 0 : i32
    %dma_wait3A_474 = tpu.memref_slice %arg6[%dma_wait3A_471, %dma_wait3A_472, %dma_wait3A_473] : memref<6x32x512xf32, #tpu.memory_space<vmem>> -> memref<1x32x512xf32, #tpu.memory_space<vmem>>
    %dma_wait3A_475 = tpu.memref_squeeze %dma_wait3A_474 : memref<1x32x512xf32, #tpu.memory_space<vmem>> -> memref<32x512xf32, #tpu.memory_space<vmem>>
    %dma_wait3A_476 = arith.constant 256 : i32
    %dma_wait3A_477 = tpu.memref_slice %arg5[%dma_wait3A_476] : memref<512xi32, #tpu.memory_space<vmem>> -> memref<32xi32, #tpu.memory_space<vmem>>
    %dma_wait3A_478 = arith.constant 0 : i32
    %dma_wait3A_479 = arith.constant 0 : i32
    %dma_wait3A_480 = tpu.memref_slice %arg3[%dma_wait3A_478, %dma_wait3A_479] : memref<8200x512xf32, #tpu.memory_space<hbm>> -> memref<8200x512xf32, #tpu.memory_space<hbm>>
    tpu.wait_indirect_dma semaphore(%arg11 : memref<!tpu.dma_semaphore, #tpu.memory_space<semaphore_mem>>) src(%dma_wait3A_480 : memref<8200x512xf32, #tpu.memory_space<hbm>>) dst(%dma_wait3A_475 : memref<32x512xf32, #tpu.memory_space<vmem>>)
    %add3A_481 = arith.constant 256 : i32
    %add3A_482 = arith.addi %mul3A_2, %add3A_481 : i32
    %dma_start3A_483 = arith.constant 2 : i32
    %dma_start3A_484 = arith.constant 0 : i32
    %dma_start3A_485 = arith.constant 0 : i32
    %dma_start3A_486 = tpu.memref_slice %arg6[%dma_start3A_483, %dma_start3A_484, %dma_start3A_485] : memref<6x32x512xf32, #tpu.memory_space<vmem>> -> memref<1x32x512xf32, #tpu.memory_space<vmem>>
    %dma_start3A_487 = tpu.memref_squeeze %dma_start3A_486 : memref<1x32x512xf32, #tpu.memory_space<vmem>> -> memref<32x512xf32, #tpu.memory_space<vmem>>
    %dma_start3A_488 = arith.constant 0 : i32
    %dma_start3A_489 = tpu.memref_slice %arg4[%add3A_482, %dma_start3A_488] : memref<16384x512xf32, #tpu.memory_space<hbm>> -> memref<32x512xf32, #tpu.memory_space<hbm>>
    %dma_start3A_490 = arith.constant 0 : i32
    %dma_start3A_491 = tpu.memref_slice %arg4[%add3A_482, %dma_start3A_490] : memref<16384x512xf32, #tpu.memory_space<hbm>> -> memref<32x512xf32, #tpu.memory_space<hbm>>
    %dma_start3A_492 = arith.constant 0 : i32
    %dma_start3A_493 = arith.constant 0 : i32
    %dma_start3A_494 = tpu.memref_slice %arg6[%dma_start3A_483, %dma_start3A_492, %dma_start3A_493] : memref<6x32x512xf32, #tpu.memory_space<vmem>> -> memref<1x32x512xf32, #tpu.memory_space<vmem>>
    %dma_start3A_495 = tpu.memref_squeeze %dma_start3A_494 : memref<1x32x512xf32, #tpu.memory_space<vmem>> -> memref<32x512xf32, #tpu.memory_space<vmem>>
    tpu.enqueue_dma source(%dma_start3A_495 : memref<32x512xf32, #tpu.memory_space<vmem>>) target(%dma_start3A_491 : memref<32x512xf32, #tpu.memory_space<hbm>>) target_semaphore(%arg17 : memref<!tpu.dma_semaphore, #tpu.memory_space<semaphore_mem>>)
    %dma_wait3A_496 = arith.constant 2 : i32
    %dma_wait3A_497 = arith.constant 0 : i32
    %dma_wait3A_498 = arith.constant 0 : i32
    %dma_wait3A_499 = tpu.memref_slice %arg6[%dma_wait3A_496, %dma_wait3A_497, %dma_wait3A_498] : memref<6x32x512xf32, #tpu.memory_space<vmem>> -> memref<1x32x512xf32, #tpu.memory_space<vmem>>
    %dma_wait3A_500 = tpu.memref_squeeze %dma_wait3A_499 : memref<1x32x512xf32, #tpu.memory_space<vmem>> -> memref<32x512xf32, #tpu.memory_space<vmem>>
    %dma_wait3A_501 = arith.constant 0 : i32
    %dma_wait3A_502 = tpu.memref_slice %arg4[%add3A_482, %dma_wait3A_501] : memref<16384x512xf32, #tpu.memory_space<hbm>> -> memref<32x512xf32, #tpu.memory_space<hbm>>
    %dma_wait3A_503 = arith.constant 0 : i32
    %dma_wait3A_504 = tpu.memref_slice %arg4[%add3A_482, %dma_wait3A_503] : memref<16384x512xf32, #tpu.memory_space<hbm>> -> memref<32x512xf32, #tpu.memory_space<hbm>>
    %dma_wait3A_505 = arith.constant 0 : i32
    %dma_wait3A_506 = arith.constant 0 : i32
    %dma_wait3A_507 = tpu.memref_slice %arg6[%dma_wait3A_496, %dma_wait3A_505, %dma_wait3A_506] : memref<6x32x512xf32, #tpu.memory_space<vmem>> -> memref<1x32x512xf32, #tpu.memory_space<vmem>>
    %dma_wait3A_508 = tpu.memref_squeeze %dma_wait3A_507 : memref<1x32x512xf32, #tpu.memory_space<vmem>> -> memref<32x512xf32, #tpu.memory_space<vmem>>
    tpu.wait_dma2 semaphore(%arg17 : memref<!tpu.dma_semaphore, #tpu.memory_space<semaphore_mem>>) src(%dma_wait3A_508 : memref<32x512xf32, #tpu.memory_space<vmem>>) dst(%dma_wait3A_504 : memref<32x512xf32, #tpu.memory_space<hbm>>)
    %dma_start3A_509 = arith.constant 2 : i32
    %dma_start3A_510 = arith.constant 0 : i32
    %dma_start3A_511 = arith.constant 0 : i32
    %dma_start3A_512 = tpu.memref_slice %arg6[%dma_start3A_509, %dma_start3A_510, %dma_start3A_511] : memref<6x32x512xf32, #tpu.memory_space<vmem>> -> memref<1x32x512xf32, #tpu.memory_space<vmem>>
    %dma_start3A_513 = tpu.memref_squeeze %dma_start3A_512 : memref<1x32x512xf32, #tpu.memory_space<vmem>> -> memref<32x512xf32, #tpu.memory_space<vmem>>
    %dma_start3A_514 = arith.constant 448 : i32
    %dma_start3A_515 = tpu.memref_slice %arg5[%dma_start3A_514] : memref<512xi32, #tpu.memory_space<vmem>> -> memref<32xi32, #tpu.memory_space<vmem>>
    %dma_start3A_516 = arith.constant 0 : i32
    %dma_start3A_517 = arith.constant 0 : i32
    %dma_start3A_518 = tpu.memref_slice %arg3[%dma_start3A_516, %dma_start3A_517] : memref<8200x512xf32, #tpu.memory_space<hbm>> -> memref<8200x512xf32, #tpu.memory_space<hbm>>
    tpu.enqueue_indirect_dma source(%dma_start3A_518 : memref<8200x512xf32, #tpu.memory_space<hbm>>) target(%dma_start3A_513 : memref<32x512xf32, #tpu.memory_space<vmem>>) offsets(%dma_start3A_515 : memref<32xi32, #tpu.memory_space<vmem>>) semaphore(%arg11 : memref<!tpu.dma_semaphore, #tpu.memory_space<semaphore_mem>>)
    %dma_wait3A_519 = arith.constant 3 : i32
    %dma_wait3A_520 = arith.constant 0 : i32
    %dma_wait3A_521 = arith.constant 0 : i32
    %dma_wait3A_522 = tpu.memref_slice %arg6[%dma_wait3A_519, %dma_wait3A_520, %dma_wait3A_521] : memref<6x32x512xf32, #tpu.memory_space<vmem>> -> memref<1x32x512xf32, #tpu.memory_space<vmem>>
    %dma_wait3A_523 = tpu.memref_squeeze %dma_wait3A_522 : memref<1x32x512xf32, #tpu.memory_space<vmem>> -> memref<32x512xf32, #tpu.memory_space<vmem>>
    %dma_wait3A_524 = arith.constant 288 : i32
    %dma_wait3A_525 = tpu.memref_slice %arg5[%dma_wait3A_524] : memref<512xi32, #tpu.memory_space<vmem>> -> memref<32xi32, #tpu.memory_space<vmem>>
    %dma_wait3A_526 = arith.constant 0 : i32
    %dma_wait3A_527 = arith.constant 0 : i32
    %dma_wait3A_528 = tpu.memref_slice %arg3[%dma_wait3A_526, %dma_wait3A_527] : memref<8200x512xf32, #tpu.memory_space<hbm>> -> memref<8200x512xf32, #tpu.memory_space<hbm>>
    tpu.wait_indirect_dma semaphore(%arg12 : memref<!tpu.dma_semaphore, #tpu.memory_space<semaphore_mem>>) src(%dma_wait3A_528 : memref<8200x512xf32, #tpu.memory_space<hbm>>) dst(%dma_wait3A_523 : memref<32x512xf32, #tpu.memory_space<vmem>>)
    %add3A_529 = arith.constant 288 : i32
    %add3A_530 = arith.addi %mul3A_2, %add3A_529 : i32
    %dma_start3A_531 = arith.constant 3 : i32
    %dma_start3A_532 = arith.constant 0 : i32
    %dma_start3A_533 = arith.constant 0 : i32
    %dma_start3A_534 = tpu.memref_slice %arg6[%dma_start3A_531, %dma_start3A_532, %dma_start3A_533] : memref<6x32x512xf32, #tpu.memory_space<vmem>> -> memref<1x32x512xf32, #tpu.memory_space<vmem>>
    %dma_start3A_535 = tpu.memref_squeeze %dma_start3A_534 : memref<1x32x512xf32, #tpu.memory_space<vmem>> -> memref<32x512xf32, #tpu.memory_space<vmem>>
    %dma_start3A_536 = arith.constant 0 : i32
    %dma_start3A_537 = tpu.memref_slice %arg4[%add3A_530, %dma_start3A_536] : memref<16384x512xf32, #tpu.memory_space<hbm>> -> memref<32x512xf32, #tpu.memory_space<hbm>>
    %dma_start3A_538 = arith.constant 0 : i32
    %dma_start3A_539 = tpu.memref_slice %arg4[%add3A_530, %dma_start3A_538] : memref<16384x512xf32, #tpu.memory_space<hbm>> -> memref<32x512xf32, #tpu.memory_space<hbm>>
    %dma_start3A_540 = arith.constant 0 : i32
    %dma_start3A_541 = arith.constant 0 : i32
    %dma_start3A_542 = tpu.memref_slice %arg6[%dma_start3A_531, %dma_start3A_540, %dma_start3A_541] : memref<6x32x512xf32, #tpu.memory_space<vmem>> -> memref<1x32x512xf32, #tpu.memory_space<vmem>>
    %dma_start3A_543 = tpu.memref_squeeze %dma_start3A_542 : memref<1x32x512xf32, #tpu.memory_space<vmem>> -> memref<32x512xf32, #tpu.memory_space<vmem>>
    tpu.enqueue_dma source(%dma_start3A_543 : memref<32x512xf32, #tpu.memory_space<vmem>>) target(%dma_start3A_539 : memref<32x512xf32, #tpu.memory_space<hbm>>) target_semaphore(%arg18 : memref<!tpu.dma_semaphore, #tpu.memory_space<semaphore_mem>>)
    %dma_wait3A_544 = arith.constant 3 : i32
    %dma_wait3A_545 = arith.constant 0 : i32
    %dma_wait3A_546 = arith.constant 0 : i32
    %dma_wait3A_547 = tpu.memref_slice %arg6[%dma_wait3A_544, %dma_wait3A_545, %dma_wait3A_546] : memref<6x32x512xf32, #tpu.memory_space<vmem>> -> memref<1x32x512xf32, #tpu.memory_space<vmem>>
    %dma_wait3A_548 = tpu.memref_squeeze %dma_wait3A_547 : memref<1x32x512xf32, #tpu.memory_space<vmem>> -> memref<32x512xf32, #tpu.memory_space<vmem>>
    %dma_wait3A_549 = arith.constant 0 : i32
    %dma_wait3A_550 = tpu.memref_slice %arg4[%add3A_530, %dma_wait3A_549] : memref<16384x512xf32, #tpu.memory_space<hbm>> -> memref<32x512xf32, #tpu.memory_space<hbm>>
    %dma_wait3A_551 = arith.constant 0 : i32
    %dma_wait3A_552 = tpu.memref_slice %arg4[%add3A_530, %dma_wait3A_551] : memref<16384x512xf32, #tpu.memory_space<hbm>> -> memref<32x512xf32, #tpu.memory_space<hbm>>
    %dma_wait3A_553 = arith.constant 0 : i32
    %dma_wait3A_554 = arith.constant 0 : i32
    %dma_wait3A_555 = tpu.memref_slice %arg6[%dma_wait3A_544, %dma_wait3A_553, %dma_wait3A_554] : memref<6x32x512xf32, #tpu.memory_space<vmem>> -> memref<1x32x512xf32, #tpu.memory_space<vmem>>
    %dma_wait3A_556 = tpu.memref_squeeze %dma_wait3A_555 : memref<1x32x512xf32, #tpu.memory_space<vmem>> -> memref<32x512xf32, #tpu.memory_space<vmem>>
    tpu.wait_dma2 semaphore(%arg18 : memref<!tpu.dma_semaphore, #tpu.memory_space<semaphore_mem>>) src(%dma_wait3A_556 : memref<32x512xf32, #tpu.memory_space<vmem>>) dst(%dma_wait3A_552 : memref<32x512xf32, #tpu.memory_space<hbm>>)
    %dma_start3A_557 = arith.constant 3 : i32
    %dma_start3A_558 = arith.constant 0 : i32
    %dma_start3A_559 = arith.constant 0 : i32
    %dma_start3A_560 = tpu.memref_slice %arg6[%dma_start3A_557, %dma_start3A_558, %dma_start3A_559] : memref<6x32x512xf32, #tpu.memory_space<vmem>> -> memref<1x32x512xf32, #tpu.memory_space<vmem>>
    %dma_start3A_561 = tpu.memref_squeeze %dma_start3A_560 : memref<1x32x512xf32, #tpu.memory_space<vmem>> -> memref<32x512xf32, #tpu.memory_space<vmem>>
    %dma_start3A_562 = arith.constant 480 : i32
    %dma_start3A_563 = tpu.memref_slice %arg5[%dma_start3A_562] : memref<512xi32, #tpu.memory_space<vmem>> -> memref<32xi32, #tpu.memory_space<vmem>>
    %dma_start3A_564 = arith.constant 0 : i32
    %dma_start3A_565 = arith.constant 0 : i32
    %dma_start3A_566 = tpu.memref_slice %arg3[%dma_start3A_564, %dma_start3A_565] : memref<8200x512xf32, #tpu.memory_space<hbm>> -> memref<8200x512xf32, #tpu.memory_space<hbm>>
    tpu.enqueue_indirect_dma source(%dma_start3A_566 : memref<8200x512xf32, #tpu.memory_space<hbm>>) target(%dma_start3A_561 : memref<32x512xf32, #tpu.memory_space<vmem>>) offsets(%dma_start3A_563 : memref<32xi32, #tpu.memory_space<vmem>>) semaphore(%arg12 : memref<!tpu.dma_semaphore, #tpu.memory_space<semaphore_mem>>)
    %dma_wait3A_567 = arith.constant 4 : i32
    %dma_wait3A_568 = arith.constant 0 : i32
    %dma_wait3A_569 = arith.constant 0 : i32
    %dma_wait3A_570 = tpu.memref_slice %arg6[%dma_wait3A_567, %dma_wait3A_568, %dma_wait3A_569] : memref<6x32x512xf32, #tpu.memory_space<vmem>> -> memref<1x32x512xf32, #tpu.memory_space<vmem>>
    %dma_wait3A_571 = tpu.memref_squeeze %dma_wait3A_570 : memref<1x32x512xf32, #tpu.memory_space<vmem>> -> memref<32x512xf32, #tpu.memory_space<vmem>>
    %dma_wait3A_572 = arith.constant 320 : i32
    %dma_wait3A_573 = tpu.memref_slice %arg5[%dma_wait3A_572] : memref<512xi32, #tpu.memory_space<vmem>> -> memref<32xi32, #tpu.memory_space<vmem>>
    %dma_wait3A_574 = arith.constant 0 : i32
    %dma_wait3A_575 = arith.constant 0 : i32
    %dma_wait3A_576 = tpu.memref_slice %arg3[%dma_wait3A_574, %dma_wait3A_575] : memref<8200x512xf32, #tpu.memory_space<hbm>> -> memref<8200x512xf32, #tpu.memory_space<hbm>>
    tpu.wait_indirect_dma semaphore(%arg13 : memref<!tpu.dma_semaphore, #tpu.memory_space<semaphore_mem>>) src(%dma_wait3A_576 : memref<8200x512xf32, #tpu.memory_space<hbm>>) dst(%dma_wait3A_571 : memref<32x512xf32, #tpu.memory_space<vmem>>)
    %add3A_577 = arith.constant 320 : i32
    %add3A_578 = arith.addi %mul3A_2, %add3A_577 : i32
    %dma_start3A_579 = arith.constant 4 : i32
    %dma_start3A_580 = arith.constant 0 : i32
    %dma_start3A_581 = arith.constant 0 : i32
    %dma_start3A_582 = tpu.memref_slice %arg6[%dma_start3A_579, %dma_start3A_580, %dma_start3A_581] : memref<6x32x512xf32, #tpu.memory_space<vmem>> -> memref<1x32x512xf32, #tpu.memory_space<vmem>>
    %dma_start3A_583 = tpu.memref_squeeze %dma_start3A_582 : memref<1x32x512xf32, #tpu.memory_space<vmem>> -> memref<32x512xf32, #tpu.memory_space<vmem>>
    %dma_start3A_584 = arith.constant 0 : i32
    %dma_start3A_585 = tpu.memref_slice %arg4[%add3A_578, %dma_start3A_584] : memref<16384x512xf32, #tpu.memory_space<hbm>> -> memref<32x512xf32, #tpu.memory_space<hbm>>
    %dma_start3A_586 = arith.constant 0 : i32
    %dma_start3A_587 = tpu.memref_slice %arg4[%add3A_578, %dma_start3A_586] : memref<16384x512xf32, #tpu.memory_space<hbm>> -> memref<32x512xf32, #tpu.memory_space<hbm>>
    %dma_start3A_588 = arith.constant 0 : i32
    %dma_start3A_589 = arith.constant 0 : i32
    %dma_start3A_590 = tpu.memref_slice %arg6[%dma_start3A_579, %dma_start3A_588, %dma_start3A_589] : memref<6x32x512xf32, #tpu.memory_space<vmem>> -> memref<1x32x512xf32, #tpu.memory_space<vmem>>
    %dma_start3A_591 = tpu.memref_squeeze %dma_start3A_590 : memref<1x32x512xf32, #tpu.memory_space<vmem>> -> memref<32x512xf32, #tpu.memory_space<vmem>>
    tpu.enqueue_dma source(%dma_start3A_591 : memref<32x512xf32, #tpu.memory_space<vmem>>) target(%dma_start3A_587 : memref<32x512xf32, #tpu.memory_space<hbm>>) target_semaphore(%arg19 : memref<!tpu.dma_semaphore, #tpu.memory_space<semaphore_mem>>)
    %dma_wait3A_592 = arith.constant 5 : i32
    %dma_wait3A_593 = arith.constant 0 : i32
    %dma_wait3A_594 = arith.constant 0 : i32
    %dma_wait3A_595 = tpu.memref_slice %arg6[%dma_wait3A_592, %dma_wait3A_593, %dma_wait3A_594] : memref<6x32x512xf32, #tpu.memory_space<vmem>> -> memref<1x32x512xf32, #tpu.memory_space<vmem>>
    %dma_wait3A_596 = tpu.memref_squeeze %dma_wait3A_595 : memref<1x32x512xf32, #tpu.memory_space<vmem>> -> memref<32x512xf32, #tpu.memory_space<vmem>>
    %dma_wait3A_597 = arith.constant 352 : i32
    %dma_wait3A_598 = tpu.memref_slice %arg5[%dma_wait3A_597] : memref<512xi32, #tpu.memory_space<vmem>> -> memref<32xi32, #tpu.memory_space<vmem>>
    %dma_wait3A_599 = arith.constant 0 : i32
    %dma_wait3A_600 = arith.constant 0 : i32
    %dma_wait3A_601 = tpu.memref_slice %arg3[%dma_wait3A_599, %dma_wait3A_600] : memref<8200x512xf32, #tpu.memory_space<hbm>> -> memref<8200x512xf32, #tpu.memory_space<hbm>>
    tpu.wait_indirect_dma semaphore(%arg14 : memref<!tpu.dma_semaphore, #tpu.memory_space<semaphore_mem>>) src(%dma_wait3A_601 : memref<8200x512xf32, #tpu.memory_space<hbm>>) dst(%dma_wait3A_596 : memref<32x512xf32, #tpu.memory_space<vmem>>)
    %add3A_602 = arith.constant 352 : i32
    %add3A_603 = arith.addi %mul3A_2, %add3A_602 : i32
    %dma_start3A_604 = arith.constant 5 : i32
    %dma_start3A_605 = arith.constant 0 : i32
    %dma_start3A_606 = arith.constant 0 : i32
    %dma_start3A_607 = tpu.memref_slice %arg6[%dma_start3A_604, %dma_start3A_605, %dma_start3A_606] : memref<6x32x512xf32, #tpu.memory_space<vmem>> -> memref<1x32x512xf32, #tpu.memory_space<vmem>>
    %dma_start3A_608 = tpu.memref_squeeze %dma_start3A_607 : memref<1x32x512xf32, #tpu.memory_space<vmem>> -> memref<32x512xf32, #tpu.memory_space<vmem>>
    %dma_start3A_609 = arith.constant 0 : i32
    %dma_start3A_610 = tpu.memref_slice %arg4[%add3A_603, %dma_start3A_609] : memref<16384x512xf32, #tpu.memory_space<hbm>> -> memref<32x512xf32, #tpu.memory_space<hbm>>
    %dma_start3A_611 = arith.constant 0 : i32
    %dma_start3A_612 = tpu.memref_slice %arg4[%add3A_603, %dma_start3A_611] : memref<16384x512xf32, #tpu.memory_space<hbm>> -> memref<32x512xf32, #tpu.memory_space<hbm>>
    %dma_start3A_613 = arith.constant 0 : i32
    %dma_start3A_614 = arith.constant 0 : i32
    %dma_start3A_615 = tpu.memref_slice %arg6[%dma_start3A_604, %dma_start3A_613, %dma_start3A_614] : memref<6x32x512xf32, #tpu.memory_space<vmem>> -> memref<1x32x512xf32, #tpu.memory_space<vmem>>
    %dma_start3A_616 = tpu.memref_squeeze %dma_start3A_615 : memref<1x32x512xf32, #tpu.memory_space<vmem>> -> memref<32x512xf32, #tpu.memory_space<vmem>>
    tpu.enqueue_dma source(%dma_start3A_616 : memref<32x512xf32, #tpu.memory_space<vmem>>) target(%dma_start3A_612 : memref<32x512xf32, #tpu.memory_space<hbm>>) target_semaphore(%arg20 : memref<!tpu.dma_semaphore, #tpu.memory_space<semaphore_mem>>)
    %dma_wait3A_617 = arith.constant 0 : i32
    %dma_wait3A_618 = arith.constant 0 : i32
    %dma_wait3A_619 = arith.constant 0 : i32
    %dma_wait3A_620 = tpu.memref_slice %arg6[%dma_wait3A_617, %dma_wait3A_618, %dma_wait3A_619] : memref<6x32x512xf32, #tpu.memory_space<vmem>> -> memref<1x32x512xf32, #tpu.memory_space<vmem>>
    %dma_wait3A_621 = tpu.memref_squeeze %dma_wait3A_620 : memref<1x32x512xf32, #tpu.memory_space<vmem>> -> memref<32x512xf32, #tpu.memory_space<vmem>>
    %dma_wait3A_622 = arith.constant 384 : i32
    %dma_wait3A_623 = tpu.memref_slice %arg5[%dma_wait3A_622] : memref<512xi32, #tpu.memory_space<vmem>> -> memref<32xi32, #tpu.memory_space<vmem>>
    %dma_wait3A_624 = arith.constant 0 : i32
    %dma_wait3A_625 = arith.constant 0 : i32
    %dma_wait3A_626 = tpu.memref_slice %arg3[%dma_wait3A_624, %dma_wait3A_625] : memref<8200x512xf32, #tpu.memory_space<hbm>> -> memref<8200x512xf32, #tpu.memory_space<hbm>>
    tpu.wait_indirect_dma semaphore(%arg9 : memref<!tpu.dma_semaphore, #tpu.memory_space<semaphore_mem>>) src(%dma_wait3A_626 : memref<8200x512xf32, #tpu.memory_space<hbm>>) dst(%dma_wait3A_621 : memref<32x512xf32, #tpu.memory_space<vmem>>)
    %add3A_627 = arith.constant 384 : i32
    %add3A_628 = arith.addi %mul3A_2, %add3A_627 : i32
    %dma_start3A_629 = arith.constant 0 : i32
    %dma_start3A_630 = arith.constant 0 : i32
    %dma_start3A_631 = arith.constant 0 : i32
    %dma_start3A_632 = tpu.memref_slice %arg6[%dma_start3A_629, %dma_start3A_630, %dma_start3A_631] : memref<6x32x512xf32, #tpu.memory_space<vmem>> -> memref<1x32x512xf32, #tpu.memory_space<vmem>>
    %dma_start3A_633 = tpu.memref_squeeze %dma_start3A_632 : memref<1x32x512xf32, #tpu.memory_space<vmem>> -> memref<32x512xf32, #tpu.memory_space<vmem>>
    %dma_start3A_634 = arith.constant 0 : i32
    %dma_start3A_635 = tpu.memref_slice %arg4[%add3A_628, %dma_start3A_634] : memref<16384x512xf32, #tpu.memory_space<hbm>> -> memref<32x512xf32, #tpu.memory_space<hbm>>
    %dma_start3A_636 = arith.constant 0 : i32
    %dma_start3A_637 = tpu.memref_slice %arg4[%add3A_628, %dma_start3A_636] : memref<16384x512xf32, #tpu.memory_space<hbm>> -> memref<32x512xf32, #tpu.memory_space<hbm>>
    %dma_start3A_638 = arith.constant 0 : i32
    %dma_start3A_639 = arith.constant 0 : i32
    %dma_start3A_640 = tpu.memref_slice %arg6[%dma_start3A_629, %dma_start3A_638, %dma_start3A_639] : memref<6x32x512xf32, #tpu.memory_space<vmem>> -> memref<1x32x512xf32, #tpu.memory_space<vmem>>
    %dma_start3A_641 = tpu.memref_squeeze %dma_start3A_640 : memref<1x32x512xf32, #tpu.memory_space<vmem>> -> memref<32x512xf32, #tpu.memory_space<vmem>>
    tpu.enqueue_dma source(%dma_start3A_641 : memref<32x512xf32, #tpu.memory_space<vmem>>) target(%dma_start3A_637 : memref<32x512xf32, #tpu.memory_space<hbm>>) target_semaphore(%arg15 : memref<!tpu.dma_semaphore, #tpu.memory_space<semaphore_mem>>)
    %dma_wait3A_642 = arith.constant 1 : i32
    %dma_wait3A_643 = arith.constant 0 : i32
    %dma_wait3A_644 = arith.constant 0 : i32
    %dma_wait3A_645 = tpu.memref_slice %arg6[%dma_wait3A_642, %dma_wait3A_643, %dma_wait3A_644] : memref<6x32x512xf32, #tpu.memory_space<vmem>> -> memref<1x32x512xf32, #tpu.memory_space<vmem>>
    %dma_wait3A_646 = tpu.memref_squeeze %dma_wait3A_645 : memref<1x32x512xf32, #tpu.memory_space<vmem>> -> memref<32x512xf32, #tpu.memory_space<vmem>>
    %dma_wait3A_647 = arith.constant 416 : i32
    %dma_wait3A_648 = tpu.memref_slice %arg5[%dma_wait3A_647] : memref<512xi32, #tpu.memory_space<vmem>> -> memref<32xi32, #tpu.memory_space<vmem>>
    %dma_wait3A_649 = arith.constant 0 : i32
    %dma_wait3A_650 = arith.constant 0 : i32
    %dma_wait3A_651 = tpu.memref_slice %arg3[%dma_wait3A_649, %dma_wait3A_650] : memref<8200x512xf32, #tpu.memory_space<hbm>> -> memref<8200x512xf32, #tpu.memory_space<hbm>>
    tpu.wait_indirect_dma semaphore(%arg10 : memref<!tpu.dma_semaphore, #tpu.memory_space<semaphore_mem>>) src(%dma_wait3A_651 : memref<8200x512xf32, #tpu.memory_space<hbm>>) dst(%dma_wait3A_646 : memref<32x512xf32, #tpu.memory_space<vmem>>)
    %add3A_652 = arith.constant 416 : i32
    %add3A_653 = arith.addi %mul3A_2, %add3A_652 : i32
    %dma_start3A_654 = arith.constant 1 : i32
    %dma_start3A_655 = arith.constant 0 : i32
    %dma_start3A_656 = arith.constant 0 : i32
    %dma_start3A_657 = tpu.memref_slice %arg6[%dma_start3A_654, %dma_start3A_655, %dma_start3A_656] : memref<6x32x512xf32, #tpu.memory_space<vmem>> -> memref<1x32x512xf32, #tpu.memory_space<vmem>>
    %dma_start3A_658 = tpu.memref_squeeze %dma_start3A_657 : memref<1x32x512xf32, #tpu.memory_space<vmem>> -> memref<32x512xf32, #tpu.memory_space<vmem>>
    %dma_start3A_659 = arith.constant 0 : i32
    %dma_start3A_660 = tpu.memref_slice %arg4[%add3A_653, %dma_start3A_659] : memref<16384x512xf32, #tpu.memory_space<hbm>> -> memref<32x512xf32, #tpu.memory_space<hbm>>
    %dma_start3A_661 = arith.constant 0 : i32
    %dma_start3A_662 = tpu.memref_slice %arg4[%add3A_653, %dma_start3A_661] : memref<16384x512xf32, #tpu.memory_space<hbm>> -> memref<32x512xf32, #tpu.memory_space<hbm>>
    %dma_start3A_663 = arith.constant 0 : i32
    %dma_start3A_664 = arith.constant 0 : i32
    %dma_start3A_665 = tpu.memref_slice %arg6[%dma_start3A_654, %dma_start3A_663, %dma_start3A_664] : memref<6x32x512xf32, #tpu.memory_space<vmem>> -> memref<1x32x512xf32, #tpu.memory_space<vmem>>
    %dma_start3A_666 = tpu.memref_squeeze %dma_start3A_665 : memref<1x32x512xf32, #tpu.memory_space<vmem>> -> memref<32x512xf32, #tpu.memory_space<vmem>>
    tpu.enqueue_dma source(%dma_start3A_666 : memref<32x512xf32, #tpu.memory_space<vmem>>) target(%dma_start3A_662 : memref<32x512xf32, #tpu.memory_space<hbm>>) target_semaphore(%arg16 : memref<!tpu.dma_semaphore, #tpu.memory_space<semaphore_mem>>)
    %dma_wait3A_667 = arith.constant 2 : i32
    %dma_wait3A_668 = arith.constant 0 : i32
    %dma_wait3A_669 = arith.constant 0 : i32
    %dma_wait3A_670 = tpu.memref_slice %arg6[%dma_wait3A_667, %dma_wait3A_668, %dma_wait3A_669] : memref<6x32x512xf32, #tpu.memory_space<vmem>> -> memref<1x32x512xf32, #tpu.memory_space<vmem>>
    %dma_wait3A_671 = tpu.memref_squeeze %dma_wait3A_670 : memref<1x32x512xf32, #tpu.memory_space<vmem>> -> memref<32x512xf32, #tpu.memory_space<vmem>>
    %dma_wait3A_672 = arith.constant 448 : i32
    %dma_wait3A_673 = tpu.memref_slice %arg5[%dma_wait3A_672] : memref<512xi32, #tpu.memory_space<vmem>> -> memref<32xi32, #tpu.memory_space<vmem>>
    %dma_wait3A_674 = arith.constant 0 : i32
    %dma_wait3A_675 = arith.constant 0 : i32
    %dma_wait3A_676 = tpu.memref_slice %arg3[%dma_wait3A_674, %dma_wait3A_675] : memref<8200x512xf32, #tpu.memory_space<hbm>> -> memref<8200x512xf32, #tpu.memory_space<hbm>>
    tpu.wait_indirect_dma semaphore(%arg11 : memref<!tpu.dma_semaphore, #tpu.memory_space<semaphore_mem>>) src(%dma_wait3A_676 : memref<8200x512xf32, #tpu.memory_space<hbm>>) dst(%dma_wait3A_671 : memref<32x512xf32, #tpu.memory_space<vmem>>)
    %add3A_677 = arith.constant 448 : i32
    %add3A_678 = arith.addi %mul3A_2, %add3A_677 : i32
    %dma_start3A_679 = arith.constant 2 : i32
    %dma_start3A_680 = arith.constant 0 : i32
    %dma_start3A_681 = arith.constant 0 : i32
    %dma_start3A_682 = tpu.memref_slice %arg6[%dma_start3A_679, %dma_start3A_680, %dma_start3A_681] : memref<6x32x512xf32, #tpu.memory_space<vmem>> -> memref<1x32x512xf32, #tpu.memory_space<vmem>>
    %dma_start3A_683 = tpu.memref_squeeze %dma_start3A_682 : memref<1x32x512xf32, #tpu.memory_space<vmem>> -> memref<32x512xf32, #tpu.memory_space<vmem>>
    %dma_start3A_684 = arith.constant 0 : i32
    %dma_start3A_685 = tpu.memref_slice %arg4[%add3A_678, %dma_start3A_684] : memref<16384x512xf32, #tpu.memory_space<hbm>> -> memref<32x512xf32, #tpu.memory_space<hbm>>
    %dma_start3A_686 = arith.constant 0 : i32
    %dma_start3A_687 = tpu.memref_slice %arg4[%add3A_678, %dma_start3A_686] : memref<16384x512xf32, #tpu.memory_space<hbm>> -> memref<32x512xf32, #tpu.memory_space<hbm>>
    %dma_start3A_688 = arith.constant 0 : i32
    %dma_start3A_689 = arith.constant 0 : i32
    %dma_start3A_690 = tpu.memref_slice %arg6[%dma_start3A_679, %dma_start3A_688, %dma_start3A_689] : memref<6x32x512xf32, #tpu.memory_space<vmem>> -> memref<1x32x512xf32, #tpu.memory_space<vmem>>
    %dma_start3A_691 = tpu.memref_squeeze %dma_start3A_690 : memref<1x32x512xf32, #tpu.memory_space<vmem>> -> memref<32x512xf32, #tpu.memory_space<vmem>>
    tpu.enqueue_dma source(%dma_start3A_691 : memref<32x512xf32, #tpu.memory_space<vmem>>) target(%dma_start3A_687 : memref<32x512xf32, #tpu.memory_space<hbm>>) target_semaphore(%arg17 : memref<!tpu.dma_semaphore, #tpu.memory_space<semaphore_mem>>)
    %dma_wait3A_692 = arith.constant 3 : i32
    %dma_wait3A_693 = arith.constant 0 : i32
    %dma_wait3A_694 = arith.constant 0 : i32
    %dma_wait3A_695 = tpu.memref_slice %arg6[%dma_wait3A_692, %dma_wait3A_693, %dma_wait3A_694] : memref<6x32x512xf32, #tpu.memory_space<vmem>> -> memref<1x32x512xf32, #tpu.memory_space<vmem>>
    %dma_wait3A_696 = tpu.memref_squeeze %dma_wait3A_695 : memref<1x32x512xf32, #tpu.memory_space<vmem>> -> memref<32x512xf32, #tpu.memory_space<vmem>>
    %dma_wait3A_697 = arith.constant 480 : i32
    %dma_wait3A_698 = tpu.memref_slice %arg5[%dma_wait3A_697] : memref<512xi32, #tpu.memory_space<vmem>> -> memref<32xi32, #tpu.memory_space<vmem>>
    %dma_wait3A_699 = arith.constant 0 : i32
    %dma_wait3A_700 = arith.constant 0 : i32
    %dma_wait3A_701 = tpu.memref_slice %arg3[%dma_wait3A_699, %dma_wait3A_700] : memref<8200x512xf32, #tpu.memory_space<hbm>> -> memref<8200x512xf32, #tpu.memory_space<hbm>>
    tpu.wait_indirect_dma semaphore(%arg12 : memref<!tpu.dma_semaphore, #tpu.memory_space<semaphore_mem>>) src(%dma_wait3A_701 : memref<8200x512xf32, #tpu.memory_space<hbm>>) dst(%dma_wait3A_696 : memref<32x512xf32, #tpu.memory_space<vmem>>)
    %add3A_702 = arith.constant 480 : i32
    %add3A_703 = arith.addi %mul3A_2, %add3A_702 : i32
    %dma_start3A_704 = arith.constant 3 : i32
    %dma_start3A_705 = arith.constant 0 : i32
    %dma_start3A_706 = arith.constant 0 : i32
    %dma_start3A_707 = tpu.memref_slice %arg6[%dma_start3A_704, %dma_start3A_705, %dma_start3A_706] : memref<6x32x512xf32, #tpu.memory_space<vmem>> -> memref<1x32x512xf32, #tpu.memory_space<vmem>>
    %dma_start3A_708 = tpu.memref_squeeze %dma_start3A_707 : memref<1x32x512xf32, #tpu.memory_space<vmem>> -> memref<32x512xf32, #tpu.memory_space<vmem>>
    %dma_start3A_709 = arith.constant 0 : i32
    %dma_start3A_710 = tpu.memref_slice %arg4[%add3A_703, %dma_start3A_709] : memref<16384x512xf32, #tpu.memory_space<hbm>> -> memref<32x512xf32, #tpu.memory_space<hbm>>
    %dma_start3A_711 = arith.constant 0 : i32
    %dma_start3A_712 = tpu.memref_slice %arg4[%add3A_703, %dma_start3A_711] : memref<16384x512xf32, #tpu.memory_space<hbm>> -> memref<32x512xf32, #tpu.memory_space<hbm>>
    %dma_start3A_713 = arith.constant 0 : i32
    %dma_start3A_714 = arith.constant 0 : i32
    %dma_start3A_715 = tpu.memref_slice %arg6[%dma_start3A_704, %dma_start3A_713, %dma_start3A_714] : memref<6x32x512xf32, #tpu.memory_space<vmem>> -> memref<1x32x512xf32, #tpu.memory_space<vmem>>
    %dma_start3A_716 = tpu.memref_squeeze %dma_start3A_715 : memref<1x32x512xf32, #tpu.memory_space<vmem>> -> memref<32x512xf32, #tpu.memory_space<vmem>>
    tpu.enqueue_dma source(%dma_start3A_716 : memref<32x512xf32, #tpu.memory_space<vmem>>) target(%dma_start3A_712 : memref<32x512xf32, #tpu.memory_space<hbm>>) target_semaphore(%arg18 : memref<!tpu.dma_semaphore, #tpu.memory_space<semaphore_mem>>)
    %dma_wait3A_717 = arith.constant 0 : i32
    %dma_wait3A_718 = arith.constant 0 : i32
    %dma_wait3A_719 = arith.constant 0 : i32
    %dma_wait3A_720 = tpu.memref_slice %arg6[%dma_wait3A_717, %dma_wait3A_718, %dma_wait3A_719] : memref<6x32x512xf32, #tpu.memory_space<vmem>> -> memref<1x32x512xf32, #tpu.memory_space<vmem>>
    %dma_wait3A_721 = tpu.memref_squeeze %dma_wait3A_720 : memref<1x32x512xf32, #tpu.memory_space<vmem>> -> memref<32x512xf32, #tpu.memory_space<vmem>>
    %dma_wait3A_722 = arith.constant 0 : i32
    %dma_wait3A_723 = tpu.memref_slice %arg4[%add3A_628, %dma_wait3A_722] : memref<16384x512xf32, #tpu.memory_space<hbm>> -> memref<32x512xf32, #tpu.memory_space<hbm>>
    %dma_wait3A_724 = arith.constant 0 : i32
    %dma_wait3A_725 = tpu.memref_slice %arg4[%add3A_628, %dma_wait3A_724] : memref<16384x512xf32, #tpu.memory_space<hbm>> -> memref<32x512xf32, #tpu.memory_space<hbm>>
    %dma_wait3A_726 = arith.constant 0 : i32
    %dma_wait3A_727 = arith.constant 0 : i32
    %dma_wait3A_728 = tpu.memref_slice %arg6[%dma_wait3A_717, %dma_wait3A_726, %dma_wait3A_727] : memref<6x32x512xf32, #tpu.memory_space<vmem>> -> memref<1x32x512xf32, #tpu.memory_space<vmem>>
    %dma_wait3A_729 = tpu.memref_squeeze %dma_wait3A_728 : memref<1x32x512xf32, #tpu.memory_space<vmem>> -> memref<32x512xf32, #tpu.memory_space<vmem>>
    tpu.wait_dma2 semaphore(%arg15 : memref<!tpu.dma_semaphore, #tpu.memory_space<semaphore_mem>>) src(%dma_wait3A_729 : memref<32x512xf32, #tpu.memory_space<vmem>>) dst(%dma_wait3A_725 : memref<32x512xf32, #tpu.memory_space<hbm>>)
    %dma_wait3A_730 = arith.constant 1 : i32
    %dma_wait3A_731 = arith.constant 0 : i32
    %dma_wait3A_732 = arith.constant 0 : i32
    %dma_wait3A_733 = tpu.memref_slice %arg6[%dma_wait3A_730, %dma_wait3A_731, %dma_wait3A_732] : memref<6x32x512xf32, #tpu.memory_space<vmem>> -> memref<1x32x512xf32, #tpu.memory_space<vmem>>
    %dma_wait3A_734 = tpu.memref_squeeze %dma_wait3A_733 : memref<1x32x512xf32, #tpu.memory_space<vmem>> -> memref<32x512xf32, #tpu.memory_space<vmem>>
    %dma_wait3A_735 = arith.constant 0 : i32
    %dma_wait3A_736 = tpu.memref_slice %arg4[%add3A_653, %dma_wait3A_735] : memref<16384x512xf32, #tpu.memory_space<hbm>> -> memref<32x512xf32, #tpu.memory_space<hbm>>
    %dma_wait3A_737 = arith.constant 0 : i32
    %dma_wait3A_738 = tpu.memref_slice %arg4[%add3A_653, %dma_wait3A_737] : memref<16384x512xf32, #tpu.memory_space<hbm>> -> memref<32x512xf32, #tpu.memory_space<hbm>>
    %dma_wait3A_739 = arith.constant 0 : i32
    %dma_wait3A_740 = arith.constant 0 : i32
    %dma_wait3A_741 = tpu.memref_slice %arg6[%dma_wait3A_730, %dma_wait3A_739, %dma_wait3A_740] : memref<6x32x512xf32, #tpu.memory_space<vmem>> -> memref<1x32x512xf32, #tpu.memory_space<vmem>>
    %dma_wait3A_742 = tpu.memref_squeeze %dma_wait3A_741 : memref<1x32x512xf32, #tpu.memory_space<vmem>> -> memref<32x512xf32, #tpu.memory_space<vmem>>
    tpu.wait_dma2 semaphore(%arg16 : memref<!tpu.dma_semaphore, #tpu.memory_space<semaphore_mem>>) src(%dma_wait3A_742 : memref<32x512xf32, #tpu.memory_space<vmem>>) dst(%dma_wait3A_738 : memref<32x512xf32, #tpu.memory_space<hbm>>)
    %dma_wait3A_743 = arith.constant 2 : i32
    %dma_wait3A_744 = arith.constant 0 : i32
    %dma_wait3A_745 = arith.constant 0 : i32
    %dma_wait3A_746 = tpu.memref_slice %arg6[%dma_wait3A_743, %dma_wait3A_744, %dma_wait3A_745] : memref<6x32x512xf32, #tpu.memory_space<vmem>> -> memref<1x32x512xf32, #tpu.memory_space<vmem>>
    %dma_wait3A_747 = tpu.memref_squeeze %dma_wait3A_746 : memref<1x32x512xf32, #tpu.memory_space<vmem>> -> memref<32x512xf32, #tpu.memory_space<vmem>>
    %dma_wait3A_748 = arith.constant 0 : i32
    %dma_wait3A_749 = tpu.memref_slice %arg4[%add3A_678, %dma_wait3A_748] : memref<16384x512xf32, #tpu.memory_space<hbm>> -> memref<32x512xf32, #tpu.memory_space<hbm>>
    %dma_wait3A_750 = arith.constant 0 : i32
    %dma_wait3A_751 = tpu.memref_slice %arg4[%add3A_678, %dma_wait3A_750] : memref<16384x512xf32, #tpu.memory_space<hbm>> -> memref<32x512xf32, #tpu.memory_space<hbm>>
    %dma_wait3A_752 = arith.constant 0 : i32
    %dma_wait3A_753 = arith.constant 0 : i32
    %dma_wait3A_754 = tpu.memref_slice %arg6[%dma_wait3A_743, %dma_wait3A_752, %dma_wait3A_753] : memref<6x32x512xf32, #tpu.memory_space<vmem>> -> memref<1x32x512xf32, #tpu.memory_space<vmem>>
    %dma_wait3A_755 = tpu.memref_squeeze %dma_wait3A_754 : memref<1x32x512xf32, #tpu.memory_space<vmem>> -> memref<32x512xf32, #tpu.memory_space<vmem>>
    tpu.wait_dma2 semaphore(%arg17 : memref<!tpu.dma_semaphore, #tpu.memory_space<semaphore_mem>>) src(%dma_wait3A_755 : memref<32x512xf32, #tpu.memory_space<vmem>>) dst(%dma_wait3A_751 : memref<32x512xf32, #tpu.memory_space<hbm>>)
    %dma_wait3A_756 = arith.constant 3 : i32
    %dma_wait3A_757 = arith.constant 0 : i32
    %dma_wait3A_758 = arith.constant 0 : i32
    %dma_wait3A_759 = tpu.memref_slice %arg6[%dma_wait3A_756, %dma_wait3A_757, %dma_wait3A_758] : memref<6x32x512xf32, #tpu.memory_space<vmem>> -> memref<1x32x512xf32, #tpu.memory_space<vmem>>
    %dma_wait3A_760 = tpu.memref_squeeze %dma_wait3A_759 : memref<1x32x512xf32, #tpu.memory_space<vmem>> -> memref<32x512xf32, #tpu.memory_space<vmem>>
    %dma_wait3A_761 = arith.constant 0 : i32
    %dma_wait3A_762 = tpu.memref_slice %arg4[%add3A_703, %dma_wait3A_761] : memref<16384x512xf32, #tpu.memory_space<hbm>> -> memref<32x512xf32, #tpu.memory_space<hbm>>
    %dma_wait3A_763 = arith.constant 0 : i32
    %dma_wait3A_764 = tpu.memref_slice %arg4[%add3A_703, %dma_wait3A_763] : memref<16384x512xf32, #tpu.memory_space<hbm>> -> memref<32x512xf32, #tpu.memory_space<hbm>>
    %dma_wait3A_765 = arith.constant 0 : i32
    %dma_wait3A_766 = arith.constant 0 : i32
    %dma_wait3A_767 = tpu.memref_slice %arg6[%dma_wait3A_756, %dma_wait3A_765, %dma_wait3A_766] : memref<6x32x512xf32, #tpu.memory_space<vmem>> -> memref<1x32x512xf32, #tpu.memory_space<vmem>>
    %dma_wait3A_768 = tpu.memref_squeeze %dma_wait3A_767 : memref<1x32x512xf32, #tpu.memory_space<vmem>> -> memref<32x512xf32, #tpu.memory_space<vmem>>
    tpu.wait_dma2 semaphore(%arg18 : memref<!tpu.dma_semaphore, #tpu.memory_space<semaphore_mem>>) src(%dma_wait3A_768 : memref<32x512xf32, #tpu.memory_space<vmem>>) dst(%dma_wait3A_764 : memref<32x512xf32, #tpu.memory_space<hbm>>)
    %dma_wait3A_769 = arith.constant 4 : i32
    %dma_wait3A_770 = arith.constant 0 : i32
    %dma_wait3A_771 = arith.constant 0 : i32
    %dma_wait3A_772 = tpu.memref_slice %arg6[%dma_wait3A_769, %dma_wait3A_770, %dma_wait3A_771] : memref<6x32x512xf32, #tpu.memory_space<vmem>> -> memref<1x32x512xf32, #tpu.memory_space<vmem>>
    %dma_wait3A_773 = tpu.memref_squeeze %dma_wait3A_772 : memref<1x32x512xf32, #tpu.memory_space<vmem>> -> memref<32x512xf32, #tpu.memory_space<vmem>>
    %dma_wait3A_774 = arith.constant 0 : i32
    %dma_wait3A_775 = tpu.memref_slice %arg4[%add3A_578, %dma_wait3A_774] : memref<16384x512xf32, #tpu.memory_space<hbm>> -> memref<32x512xf32, #tpu.memory_space<hbm>>
    %dma_wait3A_776 = arith.constant 0 : i32
    %dma_wait3A_777 = tpu.memref_slice %arg4[%add3A_578, %dma_wait3A_776] : memref<16384x512xf32, #tpu.memory_space<hbm>> -> memref<32x512xf32, #tpu.memory_space<hbm>>
    %dma_wait3A_778 = arith.constant 0 : i32
    %dma_wait3A_779 = arith.constant 0 : i32
    %dma_wait3A_780 = tpu.memref_slice %arg6[%dma_wait3A_769, %dma_wait3A_778, %dma_wait3A_779] : memref<6x32x512xf32, #tpu.memory_space<vmem>> -> memref<1x32x512xf32, #tpu.memory_space<vmem>>
    %dma_wait3A_781 = tpu.memref_squeeze %dma_wait3A_780 : memref<1x32x512xf32, #tpu.memory_space<vmem>> -> memref<32x512xf32, #tpu.memory_space<vmem>>
    tpu.wait_dma2 semaphore(%arg19 : memref<!tpu.dma_semaphore, #tpu.memory_space<semaphore_mem>>) src(%dma_wait3A_781 : memref<32x512xf32, #tpu.memory_space<vmem>>) dst(%dma_wait3A_777 : memref<32x512xf32, #tpu.memory_space<hbm>>)
    %dma_wait3A_782 = arith.constant 5 : i32
    %dma_wait3A_783 = arith.constant 0 : i32
    %dma_wait3A_784 = arith.constant 0 : i32
    %dma_wait3A_785 = tpu.memref_slice %arg6[%dma_wait3A_782, %dma_wait3A_783, %dma_wait3A_784] : memref<6x32x512xf32, #tpu.memory_space<vmem>> -> memref<1x32x512xf32, #tpu.memory_space<vmem>>
    %dma_wait3A_786 = tpu.memref_squeeze %dma_wait3A_785 : memref<1x32x512xf32, #tpu.memory_space<vmem>> -> memref<32x512xf32, #tpu.memory_space<vmem>>
    %dma_wait3A_787 = arith.constant 0 : i32
    %dma_wait3A_788 = tpu.memref_slice %arg4[%add3A_603, %dma_wait3A_787] : memref<16384x512xf32, #tpu.memory_space<hbm>> -> memref<32x512xf32, #tpu.memory_space<hbm>>
    %dma_wait3A_789 = arith.constant 0 : i32
    %dma_wait3A_790 = tpu.memref_slice %arg4[%add3A_603, %dma_wait3A_789] : memref<16384x512xf32, #tpu.memory_space<hbm>> -> memref<32x512xf32, #tpu.memory_space<hbm>>
    %dma_wait3A_791 = arith.constant 0 : i32
    %dma_wait3A_792 = arith.constant 0 : i32
    %dma_wait3A_793 = tpu.memref_slice %arg6[%dma_wait3A_782, %dma_wait3A_791, %dma_wait3A_792] : memref<6x32x512xf32, #tpu.memory_space<vmem>> -> memref<1x32x512xf32, #tpu.memory_space<vmem>>
    %dma_wait3A_794 = tpu.memref_squeeze %dma_wait3A_793 : memref<1x32x512xf32, #tpu.memory_space<vmem>> -> memref<32x512xf32, #tpu.memory_space<vmem>>
    tpu.wait_dma2 semaphore(%arg20 : memref<!tpu.dma_semaphore, #tpu.memory_space<semaphore_mem>>) src(%dma_wait3A_794 : memref<32x512xf32, #tpu.memory_space<vmem>>) dst(%dma_wait3A_790 : memref<32x512xf32, #tpu.memory_space<hbm>>)
    return
  }
}

</mosaic_0001>

<sc_bundles>
// kernel: _sc_gather.3.cloned.1.call-start
scs
__scs_entry_jumppad:
0x0: {  	(pc) =	sbr.rel $0x88, $3  }
0x1: {  	(tag) =	ssettag $0x0;
	lr =	simm.s32 $0x1  }
0x2: {  	[smem:$0x3F9F] =	sst lr;
	_ =	strace $0xD0000000  }
0x3: {  	_ = 	snop  }
0x4: {  	_ = 	snop  }
0x5: {  	_ = 	snop  }
0x6: {  	_ = 	snop  }
0x7: {  	_ = 	snop  }
__scs_overlays_trampoline_lowered:
0x8: {  	[smem:$0x3FAE] =	sst s0  }
0x9: {  	[smem:$0x3FAF] =	sst s1  }
0xa: {  	[smem:$0x3FB0] =	sst s2  }
0xb: {  	[smem:$0x3FB1] =	sst s3  }
0xc: {  	[smem:$0x3FB2] =	sst s4  }
0xd: {  	[smem:$0x3FB3] =	sst s5  }
0xe: {  	[smem:$0x3FB4] =	sst s6  }
0xf: {  	[smem:$0x3FB5] =	sst s7  }
0x10: {  	[smem:$0x3FB6] =	sst s8  }
0x11: {  	[smem:$0x3FB7] =	sst s9;
	s0 =	simm.s32 @!p0 $0x0  }
0x12: {  	s1 =	sld [smem:$0x3F9D];
	s0 =	simm.s32 @p0 $0x1  }
0x13: {  	[smem:$0x3FB8] =	sst s0;
	s0 =	simm.s32 @!p1 $0x0  }
0x14: {  	s2 =	sld [smem:$0x3F9C];
	s0 =	simm.s32 @p1 $0x1  }
0x15: {  	[smem:$0x3FB9] =	sst s0;
	s0 =	simm.s32 @!p2 $0x0  }
0x16: {  	s3 =	sld [smem:$0x3FDB];
	s0 =	simm.s32 @p2 $0x1  }
0x17: {  	s4 =	simm.s32 $0x1BF5;
	[smem:$0x3FBB] =	sst s0  }
0x18: {  	s0 =	sld [smem:$0x3F9E];
	_ =	swait.ge [sflag:s4], $0x0  }
0x19: {  	s7 =	sld [smem:$0x3F9F]  }
0x1a: {  	s8 =	sadd.s32 $0xFFFFE003, lr  }
0x1b: {  	s9 =	sadd.s32 $0xFFFFFEF7, lr;
	s5 =	simm.s32 $0xFFFFFFFF;
	p2 =	slt.u32 s8, $0xFFFFF086  }
0x1c: {  	p1 =	slt.u32 s9, $0xF7A;
	s5 =	simm.s32 @!p2 $0x0  }
0x1d: {  	s5 =	simm.s32 @p1 $0x1;
	p0 =	seq.s32 s7, s2  }
0x1e: {  	s7 =	smul.u32 @!p0 $0xF7A, s2;
	p2 =	seq.s32 @!p0 s5, $0x0  }
0x1f: {  	s9 =	smul.u32 $0xF7A, s1;
	s8 =	simm.s32 @!p0 $0x1BF5;
	p2 =	por !p2, p0  }
0x20: {  	[sflag:s8] =	ssyncset.s32 @!p0 $0xFFFFF086;
	s6 =	sadd.s32 @!p0 s3, s7;
	s7 =	simm.s32 @!p0 $0x108  }
0x21: {  	s3 =	sadd.s32 s3, s9;
	s6 =	sadd.s32 @!p0 $0x88, s6;
	s7 =	simm.s32 @p2 $0x1082  }
0x22: {  	[simem:s7], [sflag:s8] =	dma.local @!p0 [hbm:s6], $0xF7A  }
0x23: {  	s9 =	sor.u32 $0xD0000000, s2;
	s6 =	simm.s32 $0x108;
	_ =	swait.ge @!p0 [sflag:s8], $0x0  }
0x24: {  	s3 =	sadd.s32 $0x88, s3;
	s6 =	simm.s32 @!p1 $0x1082;
	[sflag:s4] =	ssyncset.s32 $0xFFFFF086  }
0x25: {  	[simem:s6], [sflag:s4] =	dma.local [hbm:s3], $0xF7A  }
0x26: {  	[smem:$0x3F9F] =	sst s1;
	(tag) =	ssettag s2;
	_ =	strace s9  }
0x27: {  	s1 =	sld [smem:$0x3FAF]  }
0x28: {  	s2 =	sld [smem:$0x3FB0]  }
0x29: {  	s4 =	sld [smem:$0x3FB2]  }
0x2a: {  	p0 =	seq.s32 s5, $0x0;
	s5 =	sld [smem:$0x3FB3]  }
0x2b: {  	s6 =	sld [smem:$0x3FB4]  }
0x2c: {  	s7 =	sld [smem:$0x3FB5]  }
0x2d: {  	s3 =	simm.s32 $0x108;
	s8 =	sld [smem:$0x3FB6]  }
0x2e: {  	s3 =	simm.s32 @!p0 $0x1082;
	s9 =	sld [smem:$0x3FB7]  }
0x2f: {  	lr =	sadd.s32 s0, s3;
	s0 =	sld [smem:$0x3FAE]  }
0x30: {  	s3 =	sld [smem:$0x3FB1]  }
0x31: {  	[smem:$0x3FBA] =	sst s10  }
0x32: {  	s10 =	sld [smem:$0x3FB8];
	_ =	sdelay $0x3  }
0x33: {  	p0 =	seq.s32 s10, $0x1;
	s10 =	sld [smem:$0x3FBA];
	_ =	sdelay $0x3  }
0x34: {  	[smem:$0x3FBA] =	sst s10  }
0x35: {  	s10 =	sld [smem:$0x3FB9];
	_ =	sdelay $0x3  }
0x36: {  	p1 =	seq.s32 s10, $0x1;
	s10 =	sld [smem:$0x3FBA];
	_ =	sdelay $0x3  }
0x37: {  	[smem:$0x3FBA] =	sst s10  }
0x38: {  	s10 =	sld [smem:$0x3FBB]  }
0x39: {  	_ = 	snop;
	(pc) =	sbr.ind lr, $3  }
0x3a: {  	_ = 	snop  }
0x3b: {  	_ = 	snop  }
0x3c: {  	p2 =	seq.s32 s10, $0x1;
	s10 =	sld [smem:$0x3FBA]  }
0x3d: {  	_ =	shalt  }
0x3e: {  	_ =	shalt  }
0x3f: {  	_ =	shalt  }
0x40: {  	_ =	shalt  }
0x41: {  	_ =	shalt  }
0x42: {  	_ =	shalt  }
0x43: {  	_ =	shalt  }
0x44: {  	_ =	shalt  }
0x45: {  	_ =	shalt  }
0x46: {  	_ =	shalt  }
0x47: {  	_ =	shalt  }
0x48: {  	_ =	shalt  }
0x49: {  	_ =	shalt  }
0x4a: {  	_ =	shalt  }
0x4b: {  	_ =	shalt  }
0x4c: {  	_ =	shalt  }
0x4d: {  	_ =	shalt  }
0x4e: {  	_ =	shalt  }
0x4f: {  	_ =	shalt  }
0x50: {  	_ =	shalt  }
0x51: {  	_ =	shalt  }
0x52: {  	_ =	shalt  }
0x53: {  	_ =	shalt  }
0x54: {  	_ =	shalt  }
0x55: {  	_ =	shalt  }
0x56: {  	_ =	shalt  }
0x57: {  	_ =	shalt  }
0x58: {  	_ =	shalt  }
0x59: {  	_ =	shalt  }
0x5a: {  	_ =	shalt  }
0x5b: {  	_ =	shalt  }
0x5c: {  	_ =	shalt  }
0x5d: {  	_ =	shalt  }
0x5e: {  	_ =	shalt  }
0x5f: {  	_ =	shalt  }
0x60: {  	_ =	shalt  }
0x61: {  	_ =	shalt  }
0x62: {  	_ =	shalt  }
0x63: {  	_ =	shalt  }
0x64: {  	_ =	shalt  }
0x65: {  	_ =	shalt  }
0x66: {  	_ =	shalt  }
0x67: {  	_ =	shalt  }
0x68: {  	_ =	shalt  }
0x69: {  	_ =	shalt  }
0x6a: {  	_ =	shalt  }
0x6b: {  	_ =	shalt  }
0x6c: {  	_ =	shalt  }
0x6d: {  	_ =	shalt  }
0x6e: {  	_ =	shalt  }
0x6f: {  	_ =	shalt  }
0x70: {  	_ =	shalt  }
0x71: {  	_ =	shalt  }
0x72: {  	_ =	shalt  }
0x73: {  	_ =	shalt  }
0x74: {  	_ =	shalt  }
0x75: {  	_ =	shalt  }
0x76: {  	_ =	shalt  }
0x77: {  	_ =	shalt  }
0x78: {  	_ =	shalt  }
0x79: {  	_ =	shalt  }
0x7a: {  	_ =	shalt  }
0x7b: {  	_ =	shalt  }
0x7c: {  	_ =	shalt  }
0x7d: {  	_ =	shalt  }
0x7e: {  	_ =	shalt  }
0x7f: {  	_ =	shalt  }
0x80: {  	_ =	shalt  }
0x81: {  	_ =	shalt  }
0x82: {  	_ =	shalt  }
0x83: {  	_ =	shalt  }
0x84: {  	_ =	shalt  }
0x85: {  	_ =	shalt  }
0x86: {  	_ =	shalt  }
0x87: {  	_ =	shalt  }
.Lfunc_end0:
.L_simem_size_0:
called_computation_lowered:
.L_overlay_start_0:
0x88: {  	s2 =	sld [smem:$0x3FD9]  }
0x89: {  	s3 =	sld [smem:$0x3FFE];
	_ =	sdelay $0x1  }
0x8a: {  	s1 =	srdreg.scid  }
0x8b: {  	s0 =	sand.u32 $0x1, s1  }
0x8c: {  	s18 =	sshll.u32 s0, $0xA;
	s2 =	sadd.s32 s3, s2  }
0x8d: {  	s2 =	sadd.s32 s2, s18  }
0x8e: {  	[smem:$0x3FC6] =	sst s2  }
0x8f: {  	_ = 	snop  }
0x90: {  	s2 =	sld [smem:$0x3FC9]  }
0x91: {  	s19 =	sld [smem:$0x3FC8]  }
0x92: {  	s4 =	sld [smem:$0x3FD0];
	(tm) =	ssettm $0x1  }
0x93: {  	s5 =	sld [smem:$0x3FFB];
	_ =	sdelay $0x3  }
0x94: {  	_ =	strace s5  }
0x95: {  	s5 =	sld [smem:$0x3FFC];
	_ =	sdelay $0x3  }
0x96: {  	_ =	strace s5  }
0x97: {  	s5 =	sld [smem:$0x3FFD];
	_ =	sdelay $0x3  }
0x98: {  	_ =	strace s5  }
0x99: {  	_ =	strace $0x8FFFFFFF  }
0x9a: {  	s20 =	sld [smem:$0x3FDB];
	_ =	sdelay $0x1  }
0x9b: {  	s6 =	simm.s32 $_scs_section_size  }
0x9c: {  	s7 =	simm.s32 $_size__tile_overlayer_lowered;
	s8 =	simm.s32 $_tile_overlayer_lowered  }
0x9d: {  	s23 =	simm.s32 $0x1BFF;
	s22 =	sshll.u32 s8, $0x1;
	s5 =	sadd.s32 s6, s20  }
0x9e: {  	s9 =	simm.s32 $0x0;
	s21 =	sshll.u32 s7, $0x1;
	s7 =	sadd.s32 s22, s5  }
0x9f: {  	[timem:s9], [sflag:s23] =	dma.local [hbm:s7], s21  }
0xa0: {  	_ =	swait.ge [sflag:s23], s21  }
0xa1: {  	s6 =	ssub.s32 $0x0, s21;
	[sflag:s23] =	ssyncset.done $0x0  }
0xa2: {  	[sflag:s23] =	ssyncadd.s32 s6;
	_ =	sdelay $0x1  }
0xa3: {  	s24 =	simm.s32 $0x1B8B  }
0xa4: {  	_ =	swait.ge [sflag:s24], $0x1  }
0xa5: {  	[sflag:s24] =	ssyncset.done $0x0  }
0xa6: {  	s25 =	simm.s32 $0x1B8E;
	[sflag:s24] =	ssyncadd.s32 $0xFFFFFFFF  }
0xa7: {  	s26 =	simm.s32 $execute0_lowered;
	[smem:$0x3FD2] =	sst s25  }
0xa8: {  	s6 =	sshll.u32 s26, $0x1;
	_ =	strace $0x80000046;
	[dreg:$0x1] =	wrdreg $0xFFFFFFFF  }
0xa9: {  	s28 =	simm.s32 $_size_execute0_lowered;
	s5 =	sadd.s32 s5, s6;
	[dreg:$0x0] =	wrdreg $0x0  }
0xaa: {  	s6 =	sshll.u32 s28, $0x1;
	[dreg:$0x2] =	wrdreg s5  }
0xab: {  	[dreg:$0x3] =	wrdreg s6  }
0xac: {  	[dreg:$0x4] =	wrdreg $0xC0  }
0xad: {  	_ =	task [dreg:s9], $0x5FFFF  }
0xae: {  	[dreg:$0x1] =	wrdreg $0xFFFFFFFF  }
0xaf: {  	[dreg:$0x0] =	wrdreg $0x60  }
0xb0: {  	[dreg:$0x2] =	wrdreg s2  }
0xb1: {  	[dreg:$0x3] =	wrdreg s19  }
0xb2: {  	[dreg:$0x4] =	wrdreg s4  }
0xb3: {  	[dreg:$0x5] =	wrdreg $0x9  }
0xb4: {  	_ =	task.clear_ibuf [dreg:s9], $0x6FFFF;
	_ =	strace $0x90000046  }
0xb5: {  	s29 =	simm.s32 $0x9;
	_ =	strace $0x80000048  }
0xb6: {  	_ =	swait.ge [sflag:s29], $0x1  }
0xb7: {  	[sflag:s29] =	ssyncadd.s32 $0xFFFFFFFF  }
0xb8: {  	_ =	strace $0x90000048  }
0xb9: {  	_ =	sfence  }
0xba: {  	s30 =	sld [smem:$0x0];
	_ =	sdelay $0x2  }
0xbb: {  	s31 =	sshll.u32 s1, $0xD;
	s1 =	sshrl.u32 s1, $0x2  }
0xbc: {  	s3 =	sand.u32 $0x4000, s31;
	s1 =	sadd.s32 s1, s30  }
0xbd: {  	s0 =	sor.u32 s3, s0;
	s1 =	sshll.u32 s1, $0x11  }
0xbe: {  	s0 =	sor.u32 s1, s0  }
0xbf: {  	s0 =	sadd.s32 $0x8F2B, s0  }
0xc0: {  	[sflag:s0] =	ssyncadd.remote.s32 $0x1  }
0xc1: {  	_ =	sfence.sel $0xFFFF  }
0xc2: {  	[dreg:$0x0] =	wrdreg $0xFFFFFFFF;
	(pc) =	sbr.abs _section_cstart, $3  }
0xc3: {  	[dreg:$0x1] =	wrdreg $0xFFFFFFFF  }
0xc4: {  	_ =	task.clear_ibuf [dreg:s9], $0x2FFFF;
	_ =	strace $0x9FFFFFFF  }
0xc5: {  	(tm) =	ssettm $0x7FFFFFFF  }
tec
execute0_lowered:
.L_overlay_start_1:
0x0: {  	(tag) =	ssettag $0x1  }
0x1: {  	s0 =	rddreg [dreg:$0x0]  }
0x2: {  	s2 =	rddreg [dreg:$0x1];
	s3 =	srdreg.scid  }
0x3: {  	s1 =	rddreg [dreg:$0x2];
	s5 =	stileid.u32;
	s4 =	sand.u32 $0x1, s3  }
0x4: {  	s3 =	simm.s32 $0x0;
	s5 =	sshll.u32 s5, $0xA;
	s6 =	sshll.u32 s4, $0x9  }
0x5: {  	s26 =	simm.s32 $0x100;
	[smem:$0x7FF] =	sst s3;
	s5 =	sor.u32 s6, s5  }
0x6: {  	_ =	strace $0x80000047;
	s6 =	sshrl.u32 s5, $0x3;
	s7 =	sor.u32 $0x100, s5  }
0x7: {  	[dreg:$0x15] =	wrdreg s26;
	s6 =	sadd.s32 s0, s6;
	s8 =	sshrl.u32 s7, $0x3  }
0x8: {  	s16 =	sshll.u32 s7, $0x6;
	[dreg:$0x4] =	wrdreg s6;
	s0 =	sadd.s32 s0, s8  }
0x9: {  	s5 =	sshll.u32 s5, $0x6;
	s17 =	sadd.s32 s1, s16;
	[dreg:$0x5] =	wrdreg s0  }
0xa: {  	s8 =	sadd.s32 s1, s5;
	[dreg:$0xd] =	wrdreg s17  }
0xb: {  	s9 =	sadd.s32 $0x800, s8;
	[dreg:$0x16] =	wrdreg s8  }
0xc: {  	s28 =	simm.s32 $0xC200;
	s10 =	sadd.s32 $0x1000, s8;
	[dreg:$0x6] =	wrdreg s9  }
0xd: {  	s29 =	simm.s32 $0x15200;
	s11 =	sadd.s32 $0x1800, s8;
	[dreg:$0x7] =	wrdreg s10  }
0xe: {  	s30 =	simm.s32 $0x15A00;
	s12 =	sadd.s32 $0x2000, s8;
	[dreg:$0x8] =	wrdreg s11  }
0xf: {  	s31 =	simm.s32 $0x16200;
	s13 =	sadd.s32 $0x2800, s8;
	[dreg:$0x9] =	wrdreg s12  }
0x10: {  	s21 =	ssub.s32 $0x2, s4;
	s14 =	sadd.s32 $0x3000, s8;
	[dreg:$0xa] =	wrdreg s13  }
0x11: {  	s4 =	sshrl.u32 s21, $0x1;
	s15 =	sadd.s32 $0x3800, s8;
	[dreg:$0xb] =	wrdreg s14  }
0x12: {  	s26 =	simm.s32 $0xC;
	s18 =	sadd.s32 $0x4800, s8;
	[dreg:$0xc] =	wrdreg s15  }
0x13: {  	s1 =	ssub.s32 s21, s4;
	s19 =	sadd.s32 $0x5000, s8;
	[dreg:$0xe] =	wrdreg s18  }
0x14: {  	s5 =	sadd.s32 $0x100, s2;
	s20 =	sadd.s32 $0x5800, s8;
	[dreg:$0xf] =	wrdreg s19  }
0x15: {  	s21 =	simm.s32 $0xA;
	s22 =	sadd.s32 $0x6000, s8;
	[dreg:$0x10] =	wrdreg s20  }
0x16: {  	s16 =	simm.s32 $0x200;
	s23 =	sadd.s32 $0x6800, s8;
	[dreg:$0x11] =	wrdreg s22  }
0x17: {  	s24 =	sadd.s32 $0x7000, s8;
	s25 =	sadd.s32 $0x7800, s8;
	[dreg:$0x12] =	wrdreg s23  }
0x18: {  	s6 =	smax.u32 s1, $0x1;
	s17 =	simm.s32 $0x11A00;
	[dreg:$0x13] =	wrdreg s24  }
0x19: {  	[dreg:$0x14] =	wrdreg s25;
	s13 =	simm.s32 $0x3;
	s19 =	simm.s32 $0x9  }
0x1a: {  	v2 =	vlaneseq.u32;
	s20 =	simm.s32 $0x4;
	s22 =	simm.s32 $0x5;
	s23 =	simm.s32 $0xB  }
0x1b: {  	vm0 =	vmmov $0xffff;
	v1 =	vshrl.u32 v2, $0x3;
	s25 =	simm.s32 $0x6;
	s24 =	simm.s32 $0x4200;
	s15 =	simm.s32 $0x11200  }
0x1c: {  	v0 =	vand.u32 $0x7, v2;
	v2 =	vor.u32 $0x8, v2;
	v1 =	vmul.u32 $0x8, v1;
	s11 =	simm.s32 $0x13200;
	s12 =	simm.s32 $0x13A00;
	s14 =	simm.s32 $0x14A00  }
.LBB2_1:
0x1d: {  	s0 =	rddreg [dreg:$0x4]  }
0x1e: {  	s4 =	rddreg [dreg:$0x5]  }
0x1f: {  	[tilespmem:s3], [sflag:$0x1] =	stream.linear.gather [hbm4b:s0+s3], $0x100, $0x38;
	[tilespmem:$0x18200] =	vst v63  }
0x20: {  	s7 =	rddreg [dreg:$0x15]  }
0x21: {  	[tilespmem:s7], [sflag:$0x2] =	stream.linear.gather [hbm4b:s4+s3], $0x100, $0x38;
	[tilespmem:$0x18200] =	vst v63  }
0x22: {  	s7 =	simm.s32 $0x1  }
0x23: {  	_ =	swait.ge [sflag:s7], $0x100  }
0x24: {  	[sflag:s7] =	ssyncset.done $0x0  }
0x25: {  	[sflag:s7] =	ssyncadd.s32 $0xFFFFFF00  }
0x26: {  	v3 =	vld [tilespmem:$0x0];
	_ =	sdelay $0x4  }
0x27: {  	v4 =	vshll.u32 v3, $0x2  }
0x28: {  	v3 =	vand.u32 $0x7, v3;
	v4 =	vand.u32 $0xFFFFFFE0, v4  }
0x29: {  	v3 =	vor.u32 v3, v4  }
0x2a: {  	v4 =	vperm.xlane v3, v0;
	_ =	sdelay $0x1  }
0x2b: {  	v4 =	vadd.s32 v1, v4;
	_ =	sdelay $0x1  }
0x2c: {  	v3 =	vperm.xlane v3, v2;
	_ =	sdelay $0x1  }
0x2d: {  	v3 =	vadd.s32 v1, v3  }
0x2e: {  	[tilespmem:s16], [sflag:$0x3] =	stream.indirect_vreg.gather [hbm4b:s2+s3], $0x80, v4, vm0, $0xb8;
	[tilespmem:$0x18200] =	vst v63  }
0x2f: {  	s8 =	simm.s32 $0xA00  }
0x30: {  	[tilespmem:s8], [sflag:$0x3] =	stream.indirect_vreg.gather [hbm4b:s5+s3], $0x80, v4, vm0, $0xb8;
	[tilespmem:$0x18200] =	vst v63  }
0x31: {  	s9 =	simm.s32 $0x1200  }
0x32: {  	[tilespmem:s9], [sflag:$0x3] =	stream.indirect_vreg.gather [hbm4b:s2+s3], $0x80, v3, vm0, $0xb8;
	[tilespmem:$0x18200] =	vst v63  }
0x33: {  	s10 =	simm.s32 $0x1A00  }
0x34: {  	[tilespmem:s10], [sflag:$0x3] =	stream.indirect_vreg.gather [hbm4b:s5+s3], $0x80, v3, vm0, $0xb8;
	[tilespmem:$0x18200] =	vst v63  }
0x35: {  	v3 =	vld [tilespmem:$0x10];
	_ =	sdelay $0x4  }
0x36: {  	v33 =	vshll.u32 v3, $0x2  }
0x37: {  	v3 =	vand.u32 $0x7, v3;
	v4 =	vand.u32 $0xFFFFFFE0, v33  }
0x38: {  	v3 =	vor.u32 v3, v4  }
0x39: {  	v4 =	vperm.xlane v3, v0;
	_ =	sdelay $0x1  }
0x3a: {  	v4 =	vadd.s32 v1, v4;
	_ =	sdelay $0x1  }
0x3b: {  	v3 =	vperm.xlane v3, v2;
	_ =	sdelay $0x1  }
0x3c: {  	s18 =	simm.s32 $0x2200;
	v3 =	vadd.s32 v1, v3  }
0x3d: {  	[tilespmem:s18], [sflag:$0x3] =	stream.indirect_vreg.gather [hbm4b:s2+s3], $0x80, v4, vm0, $0xb8;
	[tilespmem:$0x18200] =	vst v63  }
0x3e: {  	s4 =	simm.s32 $0x2A00  }
0x3f: {  	[tilespmem:s4], [sflag:$0x3] =	stream.indirect_vreg.gather [hbm4b:s5+s3], $0x80, v4, vm0, $0xb8;
	[tilespmem:$0x18200] =	vst v63  }
0x40: {  	s7 =	simm.s32 $0x3200  }
0x41: {  	[tilespmem:s7], [sflag:$0x3] =	stream.indirect_vreg.gather [hbm4b:s2+s3], $0x80, v3, vm0, $0xb8;
	[tilespmem:$0x18200] =	vst v63  }
0x42: {  	s8 =	simm.s32 $0x3A00  }
0x43: {  	[tilespmem:s8], [sflag:$0x3] =	stream.indirect_vreg.gather [hbm4b:s5+s3], $0x80, v3, vm0, $0xb8;
	[tilespmem:$0x18200] =	vst v63  }
0x44: {  	v3 =	vld [tilespmem:$0x20];
	_ =	sdelay $0x4  }
0x45: {  	v34 =	vshll.u32 v3, $0x2  }
0x46: {  	v3 =	vand.u32 $0x7, v3;
	v4 =	vand.u32 $0xFFFFFFE0, v34  }
0x47: {  	v3 =	vor.u32 v3, v4  }
0x48: {  	v4 =	vperm.xlane v3, v0;
	_ =	sdelay $0x1  }
0x49: {  	v4 =	vadd.s32 v1, v4;
	_ =	sdelay $0x1  }
0x4a: {  	v3 =	vperm.xlane v3, v2;
	_ =	sdelay $0x1  }
0x4b: {  	v3 =	vadd.s32 v1, v3  }
0x4c: {  	[tilespmem:s24], [sflag:$0x4] =	stream.indirect_vreg.gather [hbm4b:s2+s3], $0x80, v4, vm0, $0xb8;
	[tilespmem:$0x18200] =	vst v63  }
0x4d: {  	s9 =	simm.s32 $0x4A00  }
0x4e: {  	[tilespmem:s9], [sflag:$0x4] =	stream.indirect_vreg.gather [hbm4b:s5+s3], $0x80, v4, vm0, $0xb8;
	[tilespmem:$0x18200] =	vst v63  }
0x4f: {  	s10 =	simm.s32 $0x5200  }
0x50: {  	[tilespmem:s10], [sflag:$0x4] =	stream.indirect_vreg.gather [hbm4b:s2+s3], $0x80, v3, vm0, $0xb8;
	[tilespmem:$0x18200] =	vst v63  }
0x51: {  	s7 =	simm.s32 $0x5A00  }
0x52: {  	[tilespmem:s7], [sflag:$0x4] =	stream.indirect_vreg.gather [hbm4b:s5+s3], $0x80, v3, vm0, $0xb8;
	[tilespmem:$0x18200] =	vst v63  }
0x53: {  	v3 =	vld [tilespmem:$0x30];
	_ =	sdelay $0x4  }
0x54: {  	v35 =	vshll.u32 v3, $0x2  }
0x55: {  	v3 =	vand.u32 $0x7, v3;
	v4 =	vand.u32 $0xFFFFFFE0, v35  }
0x56: {  	v3 =	vor.u32 v3, v4  }
0x57: {  	v4 =	vperm.xlane v3, v0;
	_ =	sdelay $0x1  }
0x58: {  	v4 =	vadd.s32 v1, v4;
	_ =	sdelay $0x1  }
0x59: {  	v3 =	vperm.xlane v3, v2;
	_ =	sdelay $0x1  }
0x5a: {  	s8 =	simm.s32 $0x6200;
	v3 =	vadd.s32 v1, v3  }
0x5b: {  	[tilespmem:s8], [sflag:$0x4] =	stream.indirect_vreg.gather [hbm4b:s2+s3], $0x80, v4, vm0, $0xb8;
	[tilespmem:$0x18200] =	vst v63  }
0x5c: {  	s9 =	simm.s32 $0x6A00  }
0x5d: {  	[tilespmem:s9], [sflag:$0x4] =	stream.indirect_vreg.gather [hbm4b:s5+s3], $0x80, v4, vm0, $0xb8;
	[tilespmem:$0x18200] =	vst v63  }
0x5e: {  	s10 =	simm.s32 $0x7200  }
0x5f: {  	[tilespmem:s10], [sflag:$0x4] =	stream.indirect_vreg.gather [hbm4b:s2+s3], $0x80, v3, vm0, $0xb8;
	[tilespmem:$0x18200] =	vst v63  }
0x60: {  	s7 =	simm.s32 $0x7A00  }
0x61: {  	[tilespmem:s7], [sflag:$0x4] =	stream.indirect_vreg.gather [hbm4b:s5+s3], $0x80, v3, vm0, $0xb8;
	[tilespmem:$0x18200] =	vst v63  }
0x62: {  	v3 =	vld [tilespmem:$0x40];
	_ =	sdelay $0x4  }
0x63: {  	v36 =	vshll.u32 v3, $0x2  }
0x64: {  	v3 =	vand.u32 $0x7, v3;
	v4 =	vand.u32 $0xFFFFFFE0, v36  }
0x65: {  	v3 =	vor.u32 v3, v4  }
0x66: {  	v4 =	vperm.xlane v3, v0;
	_ =	sdelay $0x1  }
0x67: {  	v4 =	vadd.s32 v1, v4;
	_ =	sdelay $0x1  }
0x68: {  	v3 =	vperm.xlane v3, v2;
	_ =	sdelay $0x1  }
0x69: {  	s7 =	simm.s32 $0x8200;
	v3 =	vadd.s32 v1, v3  }
0x6a: {  	[tilespmem:s7], [sflag:$0x5] =	stream.indirect_vreg.gather [hbm4b:s2+s3], $0x80, v4, vm0, $0xb8;
	[tilespmem:$0x18200] =	vst v63  }
0x6b: {  	s8 =	simm.s32 $0x8A00  }
0x6c: {  	[tilespmem:s8], [sflag:$0x5] =	stream.indirect_vreg.gather [hbm4b:s5+s3], $0x80, v4, vm0, $0xb8;
	[tilespmem:$0x18200] =	vst v63  }
0x6d: {  	s9 =	simm.s32 $0x9200  }
0x6e: {  	[tilespmem:s9], [sflag:$0x5] =	stream.indirect_vreg.gather [hbm4b:s2+s3], $0x80, v3, vm0, $0xb8;
	[tilespmem:$0x18200] =	vst v63  }
0x6f: {  	s10 =	simm.s32 $0x9A00  }
0x70: {  	[tilespmem:s10], [sflag:$0x5] =	stream.indirect_vreg.gather [hbm4b:s5+s3], $0x80, v3, vm0, $0xb8;
	[tilespmem:$0x18200] =	vst v63  }
0x71: {  	v3 =	vld [tilespmem:$0x50];
	_ =	sdelay $0x4  }
0x72: {  	v37 =	vshll.u32 v3, $0x2  }
0x73: {  	v3 =	vand.u32 $0x7, v3;
	v4 =	vand.u32 $0xFFFFFFE0, v37  }
0x74: {  	v3 =	vor.u32 v3, v4  }
0x75: {  	v4 =	vperm.xlane v3, v0;
	_ =	sdelay $0x1  }
0x76: {  	v4 =	vadd.s32 v1, v4;
	_ =	sdelay $0x1  }
0x77: {  	v3 =	vperm.xlane v3, v2;
	_ =	sdelay $0x1  }
0x78: {  	s8 =	simm.s32 $0xA200;
	v3 =	vadd.s32 v1, v3  }
0x79: {  	[tilespmem:s8], [sflag:$0x5] =	stream.indirect_vreg.gather [hbm4b:s2+s3], $0x80, v4, vm0, $0xb8;
	[tilespmem:$0x18200] =	vst v63  }
0x7a: {  	s9 =	simm.s32 $0xAA00  }
0x7b: {  	[tilespmem:s9], [sflag:$0x5] =	stream.indirect_vreg.gather [hbm4b:s5+s3], $0x80, v4, vm0, $0xb8;
	[tilespmem:$0x18200] =	vst v63  }
0x7c: {  	s10 =	simm.s32 $0xB200  }
0x7d: {  	[tilespmem:s10], [sflag:$0x5] =	stream.indirect_vreg.gather [hbm4b:s2+s3], $0x80, v3, vm0, $0xb8;
	[tilespmem:$0x18200] =	vst v63  }
0x7e: {  	s8 =	simm.s32 $0xBA00  }
0x7f: {  	[tilespmem:s8], [sflag:$0x5] =	stream.indirect_vreg.gather [hbm4b:s5+s3], $0x80, v3, vm0, $0xb8;
	[tilespmem:$0x18200] =	vst v63  }
0x80: {  	v3 =	vld [tilespmem:$0x60];
	_ =	sdelay $0x4  }
0x81: {  	v38 =	vshll.u32 v3, $0x2  }
0x82: {  	v3 =	vand.u32 $0x7, v3;
	v4 =	vand.u32 $0xFFFFFFE0, v38  }
0x83: {  	v3 =	vor.u32 v3, v4  }
0x84: {  	v4 =	vperm.xlane v3, v0;
	_ =	sdelay $0x1  }
0x85: {  	v4 =	vadd.s32 v1, v4;
	_ =	sdelay $0x1  }
0x86: {  	v3 =	vperm.xlane v3, v2;
	_ =	sdelay $0x1  }
0x87: {  	v3 =	vadd.s32 v1, v3  }
0x88: {  	[tilespmem:s28], [sflag:$0x6] =	stream.indirect_vreg.gather [hbm4b:s2+s3], $0x80, v4, vm0, $0xb8;
	[tilespmem:$0x18200] =	vst v63  }
0x89: {  	s9 =	simm.s32 $0xCA00  }
0x8a: {  	[tilespmem:s9], [sflag:$0x6] =	stream.indirect_vreg.gather [hbm4b:s5+s3], $0x80, v4, vm0, $0xb8;
	[tilespmem:$0x18200] =	vst v63  }
0x8b: {  	s10 =	simm.s32 $0xD200  }
0x8c: {  	[tilespmem:s10], [sflag:$0x6] =	stream.indirect_vreg.gather [hbm4b:s2+s3], $0x80, v3, vm0, $0xb8;
	[tilespmem:$0x18200] =	vst v63  }
0x8d: {  	s8 =	simm.s32 $0xDA00  }
0x8e: {  	[tilespmem:s8], [sflag:$0x6] =	stream.indirect_vreg.gather [hbm4b:s5+s3], $0x80, v3, vm0, $0xb8;
	[tilespmem:$0x18200] =	vst v63  }
0x8f: {  	v3 =	vld [tilespmem:$0x70];
	_ =	sdelay $0x4  }
0x90: {  	v39 =	vshll.u32 v3, $0x2  }
0x91: {  	v3 =	vand.u32 $0x7, v3;
	v4 =	vand.u32 $0xFFFFFFE0, v39  }
0x92: {  	v3 =	vor.u32 v3, v4  }
0x93: {  	v4 =	vperm.xlane v3, v0;
	_ =	sdelay $0x1  }
0x94: {  	v4 =	vadd.s32 v1, v4;
	_ =	sdelay $0x1  }
0x95: {  	v3 =	vperm.xlane v3, v2;
	_ =	sdelay $0x1  }
0x96: {  	s9 =	simm.s32 $0xE200;
	v3 =	vadd.s32 v1, v3  }
0x97: {  	[tilespmem:s9], [sflag:$0x6] =	stream.indirect_vreg.gather [hbm4b:s2+s3], $0x80, v4, vm0, $0xb8;
	[tilespmem:$0x18200] =	vst v63  }
0x98: {  	s10 =	simm.s32 $0xEA00  }
0x99: {  	[tilespmem:s10], [sflag:$0x6] =	stream.indirect_vreg.gather [hbm4b:s5+s3], $0x80, v4, vm0, $0xb8;
	[tilespmem:$0x18200] =	vst v63  }
0x9a: {  	s8 =	simm.s32 $0xF200  }
0x9b: {  	[tilespmem:s8], [sflag:$0x6] =	stream.indirect_vreg.gather [hbm4b:s2+s3], $0x80, v3, vm0, $0xb8;
	[tilespmem:$0x18200] =	vst v63  }
0x9c: {  	s9 =	simm.s32 $0xFA00  }
0x9d: {  	[tilespmem:s9], [sflag:$0x6] =	stream.indirect_vreg.gather [hbm4b:s5+s3], $0x80, v3, vm0, $0xb8;
	[tilespmem:$0x18200] =	vst v63  }
0x9e: {  	v3 =	vld [tilespmem:$0x80];
	_ =	sdelay $0x4  }
0x9f: {  	v40 =	vshll.u32 v3, $0x2  }
0xa0: {  	v3 =	vand.u32 $0x7, v3;
	v4 =	vand.u32 $0xFFFFFFE0, v40  }
0xa1: {  	v3 =	vor.u32 v3, v4  }
0xa2: {  	v4 =	vperm.xlane v3, v0;
	_ =	sdelay $0x1  }
0xa3: {  	v4 =	vadd.s32 v1, v4;
	_ =	sdelay $0x1  }
0xa4: {  	v3 =	vperm.xlane v3, v2;
	_ =	sdelay $0x1  }
0xa5: {  	s10 =	simm.s32 $0x10200;
	v3 =	vadd.s32 v1, v3  }
0xa6: {  	[tilespmem:s10], [sflag:$0x7] =	stream.indirect_vreg.gather [hbm4b:s2+s3], $0x80, v4, vm0, $0xb8;
	[tilespmem:$0x18200] =	vst v63  }
0xa7: {  	s8 =	simm.s32 $0x10A00  }
0xa8: {  	[tilespmem:s8], [sflag:$0x7] =	stream.indirect_vreg.gather [hbm4b:s5+s3], $0x80, v4, vm0, $0xb8;
	[tilespmem:$0x18200] =	vst v63  }
0xa9: {  	_ = 	snop  }
0xaa: {  	[tilespmem:s15], [sflag:$0x7] =	stream.indirect_vreg.gather [hbm4b:s2+s3], $0x80, v3, vm0, $0xb8;
	[tilespmem:$0x18200] =	vst v63  }
0xab: {  	_ = 	snop  }
0xac: {  	[tilespmem:s17], [sflag:$0x7] =	stream.indirect_vreg.gather [hbm4b:s5+s3], $0x80, v3, vm0, $0xb8;
	[tilespmem:$0x18200] =	vst v63  }
0xad: {  	v3 =	vld [tilespmem:$0x90];
	_ =	sdelay $0x4  }
0xae: {  	v41 =	vshll.u32 v3, $0x2  }
0xaf: {  	v3 =	vand.u32 $0x7, v3;
	v4 =	vand.u32 $0xFFFFFFE0, v41  }
0xb0: {  	v3 =	vor.u32 v3, v4  }
0xb1: {  	v4 =	vperm.xlane v3, v0;
	_ =	sdelay $0x1  }
0xb2: {  	v4 =	vadd.s32 v1, v4;
	_ =	sdelay $0x1  }
0xb3: {  	v3 =	vperm.xlane v3, v2;
	_ =	sdelay $0x1  }
0xb4: {  	s9 =	simm.s32 $0x12200;
	v3 =	vadd.s32 v1, v3  }
0xb5: {  	[tilespmem:s9], [sflag:$0x7] =	stream.indirect_vreg.gather [hbm4b:s2+s3], $0x80, v4, vm0, $0xb8;
	[tilespmem:$0x18200] =	vst v63  }
0xb6: {  	s10 =	simm.s32 $0x12A00  }
0xb7: {  	[tilespmem:s10], [sflag:$0x7] =	stream.indirect_vreg.gather [hbm4b:s5+s3], $0x80, v4, vm0, $0xb8;
	[tilespmem:$0x18200] =	vst v63  }
0xb8: {  	_ = 	snop  }
0xb9: {  	[tilespmem:s11], [sflag:$0x7] =	stream.indirect_vreg.gather [hbm4b:s2+s3], $0x80, v3, vm0, $0xb8;
	[tilespmem:$0x18200] =	vst v63  }
0xba: {  	s0 =	simm.s32 $0x2  }
0xbb: {  	[tilespmem:s12], [sflag:$0x7] =	stream.indirect_vreg.gather [hbm4b:s5+s3], $0x80, v3, vm0, $0xb8;
	[tilespmem:$0x18200] =	vst v63  }
0xbc: {  	_ =	swait.ge [sflag:s0], $0x100  }
0xbd: {  	[sflag:s0] =	ssyncset.done $0x0  }
0xbe: {  	[sflag:s0] =	ssyncadd.s32 $0xFFFFFF00  }
0xbf: {  	v3 =	vld [tilespmem:$0xA0];
	_ =	sdelay $0x4  }
0xc0: {  	v42 =	vshll.u32 v3, $0x2  }
0xc1: {  	v3 =	vand.u32 $0x7, v3;
	v4 =	vand.u32 $0xFFFFFFE0, v42  }
0xc2: {  	v3 =	vor.u32 v3, v4  }
0xc3: {  	v4 =	vperm.xlane v3, v0;
	_ =	sdelay $0x1  }
0xc4: {  	v4 =	vadd.s32 v1, v4;
	_ =	sdelay $0x1  }
0xc5: {  	v3 =	vperm.xlane v3, v2;
	_ =	sdelay $0x1  }
0xc6: {  	s0 =	simm.s32 $0x14200;
	v3 =	vadd.s32 v1, v3  }
0xc7: {  	[tilespmem:s0], [sflag:$0x8] =	stream.indirect_vreg.gather [hbm4b:s2+s3], $0x80, v4, vm0, $0xb8;
	[tilespmem:$0x18200] =	vst v63  }
0xc8: {  	_ = 	snop  }
0xc9: {  	[tilespmem:s14], [sflag:$0x8] =	stream.indirect_vreg.gather [hbm4b:s5+s3], $0x80, v4, vm0, $0xb8;
	[tilespmem:$0x18200] =	vst v63  }
0xca: {  	_ = 	snop  }
0xcb: {  	[tilespmem:s29], [sflag:$0x8] =	stream.indirect_vreg.gather [hbm4b:s2+s3], $0x80, v3, vm0, $0xb8;
	[tilespmem:$0x18200] =	vst v63  }
0xcc: {  	_ = 	snop  }
0xcd: {  	[tilespmem:s30], [sflag:$0x8] =	stream.indirect_vreg.gather [hbm4b:s5+s3], $0x80, v3, vm0, $0xb8;
	[tilespmem:$0x18200] =	vst v63  }
0xce: {  	v3 =	vld [tilespmem:$0xB0];
	_ =	sdelay $0x4  }
0xcf: {  	v43 =	vshll.u32 v3, $0x2  }
0xd0: {  	v3 =	vand.u32 $0x7, v3;
	v4 =	vand.u32 $0xFFFFFFE0, v43  }
0xd1: {  	v3 =	vor.u32 v3, v4  }
0xd2: {  	v4 =	vperm.xlane v3, v0;
	_ =	sdelay $0x1  }
0xd3: {  	v4 =	vadd.s32 v1, v4;
	_ =	sdelay $0x1  }
0xd4: {  	v3 =	vperm.xlane v3, v2;
	_ =	sdelay $0x1  }
0xd5: {  	v3 =	vadd.s32 v1, v3  }
0xd6: {  	[tilespmem:s31], [sflag:$0x8] =	stream.indirect_vreg.gather [hbm4b:s2+s3], $0x80, v4, vm0, $0xb8;
	[tilespmem:$0x18200] =	vst v63  }
0xd7: {  	s0 =	simm.s32 $0x16A00  }
0xd8: {  	[tilespmem:s0], [sflag:$0x8] =	stream.indirect_vreg.gather [hbm4b:s5+s3], $0x80, v4, vm0, $0xb8;
	[tilespmem:$0x18200] =	vst v63  }
0xd9: {  	s0 =	simm.s32 $0x17200  }
0xda: {  	[tilespmem:s0], [sflag:$0x8] =	stream.indirect_vreg.gather [hbm4b:s2+s3], $0x80, v3, vm0, $0xb8;
	[tilespmem:$0x18200] =	vst v63  }
0xdb: {  	s0 =	simm.s32 $0x17A00  }
0xdc: {  	[tilespmem:s0], [sflag:$0x8] =	stream.indirect_vreg.gather [hbm4b:s5+s3], $0x80, v3, vm0, $0xb8;
	[tilespmem:$0x18200] =	vst v63  }
0xdd: {  	_ =	swait.ge [sflag:s13], $0x4000  }
0xde: {  	[sflag:s13] =	ssyncset.done $0x0  }
0xdf: {  	s0 =	rddreg [dreg:$0x16];
	[sflag:s13] =	ssyncadd.s32 $0xFFFFC000  }
0xe0: {  	[hbm4b:s0+s3] =	stream.linear.scatter [tilespmem:s16], [sflag:$0x9], $0x4000, $0x38;
	[tilespmem:$0x18200] =	vst v63  }
0xe1: {  	_ =	swait.ge [sflag:s19], $0x4000  }
0xe2: {  	[sflag:s19] =	ssyncset.done $0x0  }
0xe3: {  	[sflag:s19] =	ssyncadd.s32 $0xFFFFC000  }
0xe4: {  	v3 =	vld [tilespmem:$0xC0];
	_ =	sdelay $0x4  }
0xe5: {  	v44 =	vshll.u32 v3, $0x2  }
0xe6: {  	v3 =	vand.u32 $0x7, v3;
	v4 =	vand.u32 $0xFFFFFFE0, v44  }
0xe7: {  	v3 =	vor.u32 v3, v4  }
0xe8: {  	v4 =	vperm.xlane v3, v0;
	_ =	sdelay $0x1  }
0xe9: {  	v4 =	vadd.s32 v1, v4;
	_ =	sdelay $0x1  }
0xea: {  	v3 =	vperm.xlane v3, v2;
	_ =	sdelay $0x1  }
0xeb: {  	v3 =	vadd.s32 v1, v3  }
0xec: {  	[tilespmem:s16], [sflag:$0x3] =	stream.indirect_vreg.gather [hbm4b:s2+s3], $0x80, v4, vm0, $0xb8;
	[tilespmem:$0x18200] =	vst v63  }
0xed: {  	s0 =	simm.s32 $0xA00  }
0xee: {  	[tilespmem:s0], [sflag:$0x3] =	stream.indirect_vreg.gather [hbm4b:s5+s3], $0x80, v4, vm0, $0xb8;
	[tilespmem:$0x18200] =	vst v63  }
0xef: {  	s0 =	simm.s32 $0x1200  }
0xf0: {  	[tilespmem:s0], [sflag:$0x3] =	stream.indirect_vreg.gather [hbm4b:s2+s3], $0x80, v3, vm0, $0xb8;
	[tilespmem:$0x18200] =	vst v63  }
0xf1: {  	s1 =	simm.s32 $0x1A00  }
0xf2: {  	[tilespmem:s1], [sflag:$0x3] =	stream.indirect_vreg.gather [hbm4b:s5+s3], $0x80, v3, vm0, $0xb8;
	[tilespmem:$0x18200] =	vst v63  }
0xf3: {  	v3 =	vld [tilespmem:$0xD0];
	_ =	sdelay $0x4  }
0xf4: {  	v45 =	vshll.u32 v3, $0x2  }
0xf5: {  	v3 =	vand.u32 $0x7, v3;
	v4 =	vand.u32 $0xFFFFFFE0, v45  }
0xf6: {  	v3 =	vor.u32 v3, v4  }
0xf7: {  	v4 =	vperm.xlane v3, v0;
	_ =	sdelay $0x1  }
0xf8: {  	v4 =	vadd.s32 v1, v4;
	_ =	sdelay $0x1  }
0xf9: {  	v3 =	vperm.xlane v3, v2;
	_ =	sdelay $0x1  }
0xfa: {  	s18 =	simm.s32 $0x2200;
	v3 =	vadd.s32 v1, v3  }
0xfb: {  	[tilespmem:s18], [sflag:$0x3] =	stream.indirect_vreg.gather [hbm4b:s2+s3], $0x80, v4, vm0, $0xb8;
	[tilespmem:$0x18200] =	vst v63  }
0xfc: {  	s18 =	simm.s32 $0x2A00  }
0xfd: {  	[tilespmem:s18], [sflag:$0x3] =	stream.indirect_vreg.gather [hbm4b:s5+s3], $0x80, v4, vm0, $0xb8;
	[tilespmem:$0x18200] =	vst v63  }
0xfe: {  	s1 =	simm.s32 $0x3200  }
0xff: {  	[tilespmem:s1], [sflag:$0x3] =	stream.indirect_vreg.gather [hbm4b:s2+s3], $0x80, v3, vm0, $0xb8;
	[tilespmem:$0x18200] =	vst v63  }
0x100: {  	s4 =	simm.s32 $0x3A00  }
0x101: {  	[tilespmem:s4], [sflag:$0x3] =	stream.indirect_vreg.gather [hbm4b:s5+s3], $0x80, v3, vm0, $0xb8;
	[tilespmem:$0x18200] =	vst v63  }
0x102: {  	_ =	swait.ge [sflag:s20], $0x4000  }
0x103: {  	[sflag:s20] =	ssyncset.done $0x0  }
0x104: {  	s4 =	rddreg [dreg:$0x6];
	[sflag:s20] =	ssyncadd.s32 $0xFFFFC000  }
0x105: {  	[hbm4b:s4+s3] =	stream.linear.scatter [tilespmem:s24], [sflag:$0xA], $0x4000, $0x38;
	[tilespmem:$0x18200] =	vst v63  }
0x106: {  	_ =	swait.ge [sflag:s21], $0x4000  }
0x107: {  	[sflag:s21] =	ssyncset.done $0x0  }
0x108: {  	[sflag:s21] =	ssyncadd.s32 $0xFFFFC000  }
0x109: {  	v3 =	vld [tilespmem:$0xE0];
	_ =	sdelay $0x4  }
0x10a: {  	v46 =	vshll.u32 v3, $0x2  }
0x10b: {  	v3 =	vand.u32 $0x7, v3;
	v4 =	vand.u32 $0xFFFFFFE0, v46  }
0x10c: {  	v3 =	vor.u32 v3, v4  }
0x10d: {  	v4 =	vperm.xlane v3, v0;
	_ =	sdelay $0x1  }
0x10e: {  	v4 =	vadd.s32 v1, v4;
	_ =	sdelay $0x1  }
0x10f: {  	v3 =	vperm.xlane v3, v2;
	_ =	sdelay $0x1  }
0x110: {  	v3 =	vadd.s32 v1, v3  }
0x111: {  	[tilespmem:s24], [sflag:$0x4] =	stream.indirect_vreg.gather [hbm4b:s2+s3], $0x80, v4, vm0, $0xb8;
	[tilespmem:$0x18200] =	vst v63  }
0x112: {  	s18 =	simm.s32 $0x4A00  }
0x113: {  	[tilespmem:s18], [sflag:$0x4] =	stream.indirect_vreg.gather [hbm4b:s5+s3], $0x80, v4, vm0, $0xb8;
	[tilespmem:$0x18200] =	vst v63  }
0x114: {  	s1 =	simm.s32 $0x5200  }
0x115: {  	[tilespmem:s1], [sflag:$0x4] =	stream.indirect_vreg.gather [hbm4b:s2+s3], $0x80, v3, vm0, $0xb8;
	[tilespmem:$0x18200] =	vst v63  }
0x116: {  	s4 =	simm.s32 $0x5A00  }
0x117: {  	[tilespmem:s4], [sflag:$0x4] =	stream.indirect_vreg.gather [hbm4b:s5+s3], $0x80, v3, vm0, $0xb8;
	[tilespmem:$0x18200] =	vst v63  }
0x118: {  	v3 =	vld [tilespmem:$0xF0];
	_ =	sdelay $0x4  }
0x119: {  	v47 =	vshll.u32 v3, $0x2  }
0x11a: {  	v3 =	vand.u32 $0x7, v3;
	v4 =	vand.u32 $0xFFFFFFE0, v47  }
0x11b: {  	v3 =	vor.u32 v3, v4  }
0x11c: {  	v4 =	vperm.xlane v3, v0;
	_ =	sdelay $0x1  }
0x11d: {  	v4 =	vadd.s32 v1, v4;
	_ =	sdelay $0x1  }
0x11e: {  	v3 =	vperm.xlane v3, v2;
	_ =	sdelay $0x1  }
0x11f: {  	s18 =	simm.s32 $0x6200;
	v3 =	vadd.s32 v1, v3  }
0x120: {  	[tilespmem:s18], [sflag:$0x4] =	stream.indirect_vreg.gather [hbm4b:s2+s3], $0x80, v4, vm0, $0xb8;
	[tilespmem:$0x18200] =	vst v63  }
0x121: {  	s1 =	simm.s32 $0x6A00  }
0x122: {  	[tilespmem:s1], [sflag:$0x4] =	stream.indirect_vreg.gather [hbm4b:s5+s3], $0x80, v4, vm0, $0xb8;
	[tilespmem:$0x18200] =	vst v63  }
0x123: {  	s4 =	simm.s32 $0x7200  }
0x124: {  	[tilespmem:s4], [sflag:$0x4] =	stream.indirect_vreg.gather [hbm4b:s2+s3], $0x80, v3, vm0, $0xb8;
	[tilespmem:$0x18200] =	vst v63  }
0x125: {  	s18 =	simm.s32 $0x7A00  }
0x126: {  	[tilespmem:s18], [sflag:$0x4] =	stream.indirect_vreg.gather [hbm4b:s5+s3], $0x80, v3, vm0, $0xb8;
	[tilespmem:$0x18200] =	vst v63  }
0x127: {  	_ =	swait.ge [sflag:s22], $0x4000  }
0x128: {  	[sflag:s22] =	ssyncset.done $0x0  }
0x129: {  	s1 =	rddreg [dreg:$0x7];
	[sflag:s22] =	ssyncadd.s32 $0xFFFFC000  }
0x12a: {  	[hbm4b:s1+s3] =	stream.linear.scatter [tilespmem:s7], [sflag:$0xB], $0x4000, $0x38;
	[tilespmem:$0x18200] =	vst v63  }
0x12b: {  	_ =	swait.ge [sflag:s23], $0x4000  }
0x12c: {  	[sflag:s23] =	ssyncset.done $0x0  }
0x12d: {  	[sflag:s23] =	ssyncadd.s32 $0xFFFFC000  }
0x12e: {  	v3 =	vld [tilespmem:$0x100];
	_ =	sdelay $0x4  }
0x12f: {  	v48 =	vshll.u32 v3, $0x2  }
0x130: {  	v3 =	vand.u32 $0x7, v3;
	v4 =	vand.u32 $0xFFFFFFE0, v48  }
0x131: {  	v3 =	vor.u32 v3, v4  }
0x132: {  	v4 =	vperm.xlane v3, v0;
	_ =	sdelay $0x1  }
0x133: {  	v4 =	vadd.s32 v1, v4;
	_ =	sdelay $0x1  }
0x134: {  	v3 =	vperm.xlane v3, v2;
	_ =	sdelay $0x1  }
0x135: {  	v3 =	vadd.s32 v1, v3  }
0x136: {  	[tilespmem:s7], [sflag:$0x5] =	stream.indirect_vreg.gather [hbm4b:s2+s3], $0x80, v4, vm0, $0xb8;
	[tilespmem:$0x18200] =	vst v63  }
0x137: {  	s4 =	simm.s32 $0x8A00  }
0x138: {  	[tilespmem:s4], [sflag:$0x5] =	stream.indirect_vreg.gather [hbm4b:s5+s3], $0x80, v4, vm0, $0xb8;
	[tilespmem:$0x18200] =	vst v63  }
0x139: {  	s18 =	simm.s32 $0x9200  }
0x13a: {  	[tilespmem:s18], [sflag:$0x5] =	stream.indirect_vreg.gather [hbm4b:s2+s3], $0x80, v3, vm0, $0xb8;
	[tilespmem:$0x18200] =	vst v63  }
0x13b: {  	s1 =	simm.s32 $0x9A00  }
0x13c: {  	[tilespmem:s1], [sflag:$0x5] =	stream.indirect_vreg.gather [hbm4b:s5+s3], $0x80, v3, vm0, $0xb8;
	[tilespmem:$0x18200] =	vst v63  }
0x13d: {  	v3 =	vld [tilespmem:$0x110];
	_ =	sdelay $0x4  }
0x13e: {  	v49 =	vshll.u32 v3, $0x2  }
0x13f: {  	v3 =	vand.u32 $0x7, v3;
	v4 =	vand.u32 $0xFFFFFFE0, v49  }
0x140: {  	v3 =	vor.u32 v3, v4  }
0x141: {  	v4 =	vperm.xlane v3, v0;
	_ =	sdelay $0x1  }
0x142: {  	v4 =	vadd.s32 v1, v4;
	_ =	sdelay $0x1  }
0x143: {  	v3 =	vperm.xlane v3, v2;
	_ =	sdelay $0x1  }
0x144: {  	s4 =	simm.s32 $0xA200;
	v3 =	vadd.s32 v1, v3  }
0x145: {  	[tilespmem:s4], [sflag:$0x5] =	stream.indirect_vreg.gather [hbm4b:s2+s3], $0x80, v4, vm0, $0xb8;
	[tilespmem:$0x18200] =	vst v63  }
0x146: {  	s18 =	simm.s32 $0xAA00  }
0x147: {  	[tilespmem:s18], [sflag:$0x5] =	stream.indirect_vreg.gather [hbm4b:s5+s3], $0x80, v4, vm0, $0xb8;
	[tilespmem:$0x18200] =	vst v63  }
0x148: {  	s1 =	simm.s32 $0xB200  }
0x149: {  	[tilespmem:s1], [sflag:$0x5] =	stream.indirect_vreg.gather [hbm4b:s2+s3], $0x80, v3, vm0, $0xb8;
	[tilespmem:$0x18200] =	vst v63  }
0x14a: {  	s4 =	simm.s32 $0xBA00  }
0x14b: {  	[tilespmem:s4], [sflag:$0x5] =	stream.indirect_vreg.gather [hbm4b:s5+s3], $0x80, v3, vm0, $0xb8;
	[tilespmem:$0x18200] =	vst v63  }
0x14c: {  	_ =	swait.ge [sflag:s25], $0x4000  }
0x14d: {  	[sflag:s25] =	ssyncset.done $0x0  }
0x14e: {  	s18 =	rddreg [dreg:$0x8];
	[sflag:s25] =	ssyncadd.s32 $0xFFFFC000  }
0x14f: {  	[hbm4b:s18+s3] =	stream.linear.scatter [tilespmem:s28], [sflag:$0xC], $0x4000, $0x38;
	[tilespmem:$0x18200] =	vst v63  }
0x150: {  	_ =	swait.ge [sflag:s26], $0x4000  }
0x151: {  	[sflag:s26] =	ssyncset.done $0x0  }
0x152: {  	[sflag:s26] =	ssyncadd.s32 $0xFFFFC000  }
0x153: {  	v3 =	vld [tilespmem:$0x120];
	_ =	sdelay $0x4  }
0x154: {  	v50 =	vshll.u32 v3, $0x2  }
0x155: {  	v3 =	vand.u32 $0x7, v3;
	v4 =	vand.u32 $0xFFFFFFE0, v50  }
0x156: {  	v3 =	vor.u32 v3, v4  }
0x157: {  	v4 =	vperm.xlane v3, v0;
	_ =	sdelay $0x1  }
0x158: {  	v4 =	vadd.s32 v1, v4;
	_ =	sdelay $0x1  }
0x159: {  	v3 =	vperm.xlane v3, v2;
	_ =	sdelay $0x1  }
0x15a: {  	v3 =	vadd.s32 v1, v3  }
0x15b: {  	[tilespmem:s28], [sflag:$0x6] =	stream.indirect_vreg.gather [hbm4b:s2+s3], $0x80, v4, vm0, $0xb8;
	[tilespmem:$0x18200] =	vst v63  }
0x15c: {  	s1 =	simm.s32 $0xCA00  }
0x15d: {  	[tilespmem:s1], [sflag:$0x6] =	stream.indirect_vreg.gather [hbm4b:s5+s3], $0x80, v4, vm0, $0xb8;
	[tilespmem:$0x18200] =	vst v63  }
0x15e: {  	s4 =	simm.s32 $0xD200  }
0x15f: {  	[tilespmem:s4], [sflag:$0x6] =	stream.indirect_vreg.gather [hbm4b:s2+s3], $0x80, v3, vm0, $0xb8;
	[tilespmem:$0x18200] =	vst v63  }
0x160: {  	s18 =	simm.s32 $0xDA00  }
0x161: {  	[tilespmem:s18], [sflag:$0x6] =	stream.indirect_vreg.gather [hbm4b:s5+s3], $0x80, v3, vm0, $0xb8;
	[tilespmem:$0x18200] =	vst v63  }
0x162: {  	v3 =	vld [tilespmem:$0x130];
	_ =	sdelay $0x4  }
0x163: {  	v51 =	vshll.u32 v3, $0x2  }
0x164: {  	v3 =	vand.u32 $0x7, v3;
	v4 =	vand.u32 $0xFFFFFFE0, v51  }
0x165: {  	v3 =	vor.u32 v3, v4  }
0x166: {  	v4 =	vperm.xlane v3, v0;
	_ =	sdelay $0x1  }
0x167: {  	v4 =	vadd.s32 v1, v4;
	_ =	sdelay $0x1  }
0x168: {  	v3 =	vperm.xlane v3, v2;
	_ =	sdelay $0x1  }
0x169: {  	s1 =	simm.s32 $0xE200;
	v3 =	vadd.s32 v1, v3  }
0x16a: {  	[tilespmem:s1], [sflag:$0x6] =	stream.indirect_vreg.gather [hbm4b:s2+s3], $0x80, v4, vm0, $0xb8;
	[tilespmem:$0x18200] =	vst v63  }
0x16b: {  	s4 =	simm.s32 $0xEA00  }
0x16c: {  	[tilespmem:s4], [sflag:$0x6] =	stream.indirect_vreg.gather [hbm4b:s5+s3], $0x80, v4, vm0, $0xb8;
	[tilespmem:$0x18200] =	vst v63  }
0x16d: {  	s18 =	simm.s32 $0xF200  }
0x16e: {  	[tilespmem:s18], [sflag:$0x6] =	stream.indirect_vreg.gather [hbm4b:s2+s3], $0x80, v3, vm0, $0xb8;
	[tilespmem:$0x18200] =	vst v63  }
0x16f: {  	s1 =	simm.s32 $0xFA00  }
0x170: {  	[tilespmem:s1], [sflag:$0x6] =	stream.indirect_vreg.gather [hbm4b:s5+s3], $0x80, v3, vm0, $0xb8;
	[tilespmem:$0x18200] =	vst v63  }
0x171: {  	s1 =	simm.s32 $0x7  }
0x172: {  	_ =	swait.ge [sflag:s1], $0x4000  }
0x173: {  	[sflag:s1] =	ssyncset.done $0x0  }
0x174: {  	s18 =	simm.s32 $0x10200;
	s4 =	rddreg [dreg:$0x9];
	[sflag:s1] =	ssyncadd.s32 $0xFFFFC000  }
0x175: {  	[hbm4b:s4+s3] =	stream.linear.scatter [tilespmem:s18], [sflag:$0xD], $0x4000, $0x38;
	[tilespmem:$0x18200] =	vst v63  }
0x176: {  	s4 =	simm.s32 $0xD  }
0x177: {  	_ =	swait.ge [sflag:s4], $0x4000  }
0x178: {  	[sflag:s4] =	ssyncset.done $0x0  }
0x179: {  	[sflag:s4] =	ssyncadd.s32 $0xFFFFC000  }
0x17a: {  	v3 =	vld [tilespmem:$0x140];
	_ =	sdelay $0x4  }
0x17b: {  	v52 =	vshll.u32 v3, $0x2  }
0x17c: {  	v3 =	vand.u32 $0x7, v3;
	v4 =	vand.u32 $0xFFFFFFE0, v52  }
0x17d: {  	v3 =	vor.u32 v3, v4  }
0x17e: {  	v4 =	vperm.xlane v3, v0;
	_ =	sdelay $0x1  }
0x17f: {  	v4 =	vadd.s32 v1, v4;
	_ =	sdelay $0x1  }
0x180: {  	v3 =	vperm.xlane v3, v2;
	_ =	sdelay $0x1  }
0x181: {  	v3 =	vadd.s32 v1, v3  }
0x182: {  	[tilespmem:s18], [sflag:$0x7] =	stream.indirect_vreg.gather [hbm4b:s2+s3], $0x80, v4, vm0, $0xb8;
	[tilespmem:$0x18200] =	vst v63  }
0x183: {  	_ = 	snop  }
0x184: {  	[tilespmem:s8], [sflag:$0x7] =	stream.indirect_vreg.gather [hbm4b:s5+s3], $0x80, v4, vm0, $0xb8;
	[tilespmem:$0x18200] =	vst v63  }
0x185: {  	_ = 	snop  }
0x186: {  	[tilespmem:s15], [sflag:$0x7] =	stream.indirect_vreg.gather [hbm4b:s2+s3], $0x80, v3, vm0, $0xb8;
	[tilespmem:$0x18200] =	vst v63  }
0x187: {  	_ = 	snop  }
0x188: {  	[tilespmem:s17], [sflag:$0x7] =	stream.indirect_vreg.gather [hbm4b:s5+s3], $0x80, v3, vm0, $0xb8;
	[tilespmem:$0x18200] =	vst v63  }
0x189: {  	v3 =	vld [tilespmem:$0x150];
	_ =	sdelay $0x4  }
0x18a: {  	v53 =	vshll.u32 v3, $0x2  }
0x18b: {  	v3 =	vand.u32 $0x7, v3;
	v4 =	vand.u32 $0xFFFFFFE0, v53  }
0x18c: {  	v3 =	vor.u32 v3, v4  }
0x18d: {  	v4 =	vperm.xlane v3, v0;
	_ =	sdelay $0x1  }
0x18e: {  	v4 =	vadd.s32 v1, v4;
	_ =	sdelay $0x1  }
0x18f: {  	v3 =	vperm.xlane v3, v2;
	_ =	sdelay $0x1  }
0x190: {  	v3 =	vadd.s32 v1, v3  }
0x191: {  	[tilespmem:s9], [sflag:$0x7] =	stream.indirect_vreg.gather [hbm4b:s2+s3], $0x80, v4, vm0, $0xb8;
	[tilespmem:$0x18200] =	vst v63  }
0x192: {  	_ = 	snop  }
0x193: {  	[tilespmem:s10], [sflag:$0x7] =	stream.indirect_vreg.gather [hbm4b:s5+s3], $0x80, v4, vm0, $0xb8;
	[tilespmem:$0x18200] =	vst v63  }
0x194: {  	_ = 	snop  }
0x195: {  	[tilespmem:s11], [sflag:$0x7] =	stream.indirect_vreg.gather [hbm4b:s2+s3], $0x80, v3, vm0, $0xb8;
	[tilespmem:$0x18200] =	vst v63  }
0x196: {  	s8 =	simm.s32 $0x8  }
0x197: {  	[tilespmem:s12], [sflag:$0x7] =	stream.indirect_vreg.gather [hbm4b:s5+s3], $0x80, v3, vm0, $0xb8;
	[tilespmem:$0x18200] =	vst v63  }
0x198: {  	_ =	swait.ge [sflag:s8], $0x4000  }
0x199: {  	[sflag:s8] =	ssyncset.done $0x0  }
0x19a: {  	s10 =	simm.s32 $0x14200;
	s9 =	rddreg [dreg:$0xa];
	[sflag:s8] =	ssyncadd.s32 $0xFFFFC000  }
0x19b: {  	[hbm4b:s9+s3] =	stream.linear.scatter [tilespmem:s10], [sflag:$0xE], $0x4000, $0x38;
	[tilespmem:$0x18200] =	vst v63  }
0x19c: {  	s9 =	simm.s32 $0xE  }
0x19d: {  	_ =	swait.ge [sflag:s9], $0x4000  }
0x19e: {  	[sflag:s9] =	ssyncset.done $0x0  }
0x19f: {  	[sflag:s9] =	ssyncadd.s32 $0xFFFFC000  }
0x1a0: {  	v3 =	vld [tilespmem:$0x160];
	_ =	sdelay $0x4  }
0x1a1: {  	v54 =	vshll.u32 v3, $0x2  }
0x1a2: {  	v3 =	vand.u32 $0x7, v3;
	v4 =	vand.u32 $0xFFFFFFE0, v54  }
0x1a3: {  	v3 =	vor.u32 v3, v4  }
0x1a4: {  	v4 =	vperm.xlane v3, v0;
	_ =	sdelay $0x1  }
0x1a5: {  	v4 =	vadd.s32 v1, v4;
	_ =	sdelay $0x1  }
0x1a6: {  	v3 =	vperm.xlane v3, v2;
	_ =	sdelay $0x1  }
0x1a7: {  	v3 =	vadd.s32 v1, v3  }
0x1a8: {  	[tilespmem:s10], [sflag:$0x8] =	stream.indirect_vreg.gather [hbm4b:s2+s3], $0x80, v4, vm0, $0xb8;
	[tilespmem:$0x18200] =	vst v63  }
0x1a9: {  	_ = 	snop  }
0x1aa: {  	[tilespmem:s14], [sflag:$0x8] =	stream.indirect_vreg.gather [hbm4b:s5+s3], $0x80, v4, vm0, $0xb8;
	[tilespmem:$0x18200] =	vst v63  }
0x1ab: {  	_ = 	snop  }
0x1ac: {  	[tilespmem:s29], [sflag:$0x8] =	stream.indirect_vreg.gather [hbm4b:s2+s3], $0x80, v3, vm0, $0xb8;
	[tilespmem:$0x18200] =	vst v63  }
0x1ad: {  	_ = 	snop  }
0x1ae: {  	[tilespmem:s30], [sflag:$0x8] =	stream.indirect_vreg.gather [hbm4b:s5+s3], $0x80, v3, vm0, $0xb8;
	[tilespmem:$0x18200] =	vst v63  }
0x1af: {  	v3 =	vld [tilespmem:$0x170];
	_ =	sdelay $0x4  }
0x1b0: {  	v55 =	vshll.u32 v3, $0x2  }
0x1b1: {  	v3 =	vand.u32 $0x7, v3;
	v4 =	vand.u32 $0xFFFFFFE0, v55  }
0x1b2: {  	v3 =	vor.u32 v3, v4  }
0x1b3: {  	v4 =	vperm.xlane v3, v0;
	_ =	sdelay $0x1  }
0x1b4: {  	v4 =	vadd.s32 v1, v4;
	_ =	sdelay $0x1  }
0x1b5: {  	v3 =	vperm.xlane v3, v2;
	_ =	sdelay $0x1  }
0x1b6: {  	v3 =	vadd.s32 v1, v3  }
0x1b7: {  	[tilespmem:s31], [sflag:$0x8] =	stream.indirect_vreg.gather [hbm4b:s2+s3], $0x80, v4, vm0, $0xb8;
	[tilespmem:$0x18200] =	vst v63  }
0x1b8: {  	s0 =	simm.s32 $0x16A00  }
0x1b9: {  	[tilespmem:s0], [sflag:$0x8] =	stream.indirect_vreg.gather [hbm4b:s5+s3], $0x80, v4, vm0, $0xb8;
	[tilespmem:$0x18200] =	vst v63  }
0x1ba: {  	s0 =	simm.s32 $0x17200  }
0x1bb: {  	[tilespmem:s0], [sflag:$0x8] =	stream.indirect_vreg.gather [hbm4b:s2+s3], $0x80, v3, vm0, $0xb8;
	[tilespmem:$0x18200] =	vst v63  }
0x1bc: {  	s0 =	simm.s32 $0x17A00  }
0x1bd: {  	[tilespmem:s0], [sflag:$0x8] =	stream.indirect_vreg.gather [hbm4b:s5+s3], $0x80, v3, vm0, $0xb8;
	[tilespmem:$0x18200] =	vst v63  }
0x1be: {  	_ =	swait.ge [sflag:s13], $0x4000  }
0x1bf: {  	[sflag:s13] =	ssyncset.done $0x0  }
0x1c0: {  	s0 =	rddreg [dreg:$0xb];
	[sflag:s13] =	ssyncadd.s32 $0xFFFFC000  }
0x1c1: {  	[hbm4b:s0+s3] =	stream.linear.scatter [tilespmem:s16], [sflag:$0x9], $0x4000, $0x38;
	[tilespmem:$0x18200] =	vst v63  }
0x1c2: {  	_ =	swait.ge [sflag:s19], $0x4000  }
0x1c3: {  	[sflag:s19] =	ssyncset.done $0x0  }
0x1c4: {  	[sflag:s19] =	ssyncadd.s32 $0xFFFFC000  }
0x1c5: {  	v3 =	vld [tilespmem:$0x180];
	_ =	sdelay $0x4  }
0x1c6: {  	v56 =	vshll.u32 v3, $0x2  }
0x1c7: {  	v3 =	vand.u32 $0x7, v3;
	v4 =	vand.u32 $0xFFFFFFE0, v56  }
0x1c8: {  	v3 =	vor.u32 v3, v4  }
0x1c9: {  	v4 =	vperm.xlane v3, v0;
	_ =	sdelay $0x1  }
0x1ca: {  	v4 =	vadd.s32 v1, v4;
	_ =	sdelay $0x1  }
0x1cb: {  	v3 =	vperm.xlane v3, v2;
	_ =	sdelay $0x1  }
0x1cc: {  	v3 =	vadd.s32 v1, v3  }
0x1cd: {  	[tilespmem:s16], [sflag:$0x3] =	stream.indirect_vreg.gather [hbm4b:s2+s3], $0x80, v4, vm0, $0xb8;
	[tilespmem:$0x18200] =	vst v63  }
0x1ce: {  	s0 =	simm.s32 $0xA00  }
0x1cf: {  	[tilespmem:s0], [sflag:$0x3] =	stream.indirect_vreg.gather [hbm4b:s5+s3], $0x80, v4, vm0, $0xb8;
	[tilespmem:$0x18200] =	vst v63  }
0x1d0: {  	s0 =	simm.s32 $0x1200  }
0x1d1: {  	[tilespmem:s0], [sflag:$0x3] =	stream.indirect_vreg.gather [hbm4b:s2+s3], $0x80, v3, vm0, $0xb8;
	[tilespmem:$0x18200] =	vst v63  }
0x1d2: {  	s0 =	simm.s32 $0x1A00  }
0x1d3: {  	[tilespmem:s0], [sflag:$0x3] =	stream.indirect_vreg.gather [hbm4b:s5+s3], $0x80, v3, vm0, $0xb8;
	[tilespmem:$0x18200] =	vst v63  }
0x1d4: {  	v3 =	vld [tilespmem:$0x190];
	_ =	sdelay $0x4  }
0x1d5: {  	v57 =	vshll.u32 v3, $0x2  }
0x1d6: {  	v3 =	vand.u32 $0x7, v3;
	v4 =	vand.u32 $0xFFFFFFE0, v57  }
0x1d7: {  	v3 =	vor.u32 v3, v4  }
0x1d8: {  	v4 =	vperm.xlane v3, v0;
	_ =	sdelay $0x1  }
0x1d9: {  	v4 =	vadd.s32 v1, v4;
	_ =	sdelay $0x1  }
0x1da: {  	v3 =	vperm.xlane v3, v2;
	_ =	sdelay $0x1  }
0x1db: {  	s0 =	simm.s32 $0x2200;
	v3 =	vadd.s32 v1, v3  }
0x1dc: {  	[tilespmem:s0], [sflag:$0x3] =	stream.indirect_vreg.gather [hbm4b:s2+s3], $0x80, v4, vm0, $0xb8;
	[tilespmem:$0x18200] =	vst v63  }
0x1dd: {  	s0 =	simm.s32 $0x2A00  }
0x1de: {  	[tilespmem:s0], [sflag:$0x3] =	stream.indirect_vreg.gather [hbm4b:s5+s3], $0x80, v4, vm0, $0xb8;
	[tilespmem:$0x18200] =	vst v63  }
0x1df: {  	s0 =	simm.s32 $0x3200  }
0x1e0: {  	[tilespmem:s0], [sflag:$0x3] =	stream.indirect_vreg.gather [hbm4b:s2+s3], $0x80, v3, vm0, $0xb8;
	[tilespmem:$0x18200] =	vst v63  }
0x1e1: {  	s0 =	simm.s32 $0x3A00  }
0x1e2: {  	[tilespmem:s0], [sflag:$0x3] =	stream.indirect_vreg.gather [hbm4b:s5+s3], $0x80, v3, vm0, $0xb8;
	[tilespmem:$0x18200] =	vst v63  }
0x1e3: {  	_ =	swait.ge [sflag:s20], $0x4000  }
0x1e4: {  	[sflag:s20] =	ssyncset.done $0x0  }
0x1e5: {  	s0 =	rddreg [dreg:$0xc];
	[sflag:s20] =	ssyncadd.s32 $0xFFFFC000  }
0x1e6: {  	[hbm4b:s0+s3] =	stream.linear.scatter [tilespmem:s24], [sflag:$0xA], $0x4000, $0x38;
	[tilespmem:$0x18200] =	vst v63  }
0x1e7: {  	_ =	swait.ge [sflag:s21], $0x4000  }
0x1e8: {  	[sflag:s21] =	ssyncset.done $0x0  }
0x1e9: {  	[sflag:s21] =	ssyncadd.s32 $0xFFFFC000  }
0x1ea: {  	v3 =	vld [tilespmem:$0x1A0];
	_ =	sdelay $0x4  }
0x1eb: {  	v58 =	vshll.u32 v3, $0x2  }
0x1ec: {  	v3 =	vand.u32 $0x7, v3;
	v4 =	vand.u32 $0xFFFFFFE0, v58  }
0x1ed: {  	v3 =	vor.u32 v3, v4  }
0x1ee: {  	v4 =	vperm.xlane v3, v0;
	_ =	sdelay $0x1  }
0x1ef: {  	v4 =	vadd.s32 v1, v4;
	_ =	sdelay $0x1  }
0x1f0: {  	v3 =	vperm.xlane v3, v2;
	_ =	sdelay $0x1  }
0x1f1: {  	v3 =	vadd.s32 v1, v3  }
0x1f2: {  	[tilespmem:s24], [sflag:$0x4] =	stream.indirect_vreg.gather [hbm4b:s2+s3], $0x80, v4, vm0, $0xb8;
	[tilespmem:$0x18200] =	vst v63  }
0x1f3: {  	s0 =	simm.s32 $0x4A00  }
0x1f4: {  	[tilespmem:s0], [sflag:$0x4] =	stream.indirect_vreg.gather [hbm4b:s5+s3], $0x80, v4, vm0, $0xb8;
	[tilespmem:$0x18200] =	vst v63  }
0x1f5: {  	s0 =	simm.s32 $0x5200  }
0x1f6: {  	[tilespmem:s0], [sflag:$0x4] =	stream.indirect_vreg.gather [hbm4b:s2+s3], $0x80, v3, vm0, $0xb8;
	[tilespmem:$0x18200] =	vst v63  }
0x1f7: {  	s0 =	simm.s32 $0x5A00  }
0x1f8: {  	[tilespmem:s0], [sflag:$0x4] =	stream.indirect_vreg.gather [hbm4b:s5+s3], $0x80, v3, vm0, $0xb8;
	[tilespmem:$0x18200] =	vst v63  }
0x1f9: {  	v3 =	vld [tilespmem:$0x1B0];
	_ =	sdelay $0x4  }
0x1fa: {  	v59 =	vshll.u32 v3, $0x2  }
0x1fb: {  	v3 =	vand.u32 $0x7, v3;
	v4 =	vand.u32 $0xFFFFFFE0, v59  }
0x1fc: {  	v3 =	vor.u32 v3, v4  }
0x1fd: {  	v4 =	vperm.xlane v3, v0;
	_ =	sdelay $0x1  }
0x1fe: {  	v4 =	vadd.s32 v1, v4;
	_ =	sdelay $0x1  }
0x1ff: {  	v3 =	vperm.xlane v3, v2;
	_ =	sdelay $0x1  }
0x200: {  	s0 =	simm.s32 $0x6200;
	v3 =	vadd.s32 v1, v3  }
0x201: {  	[tilespmem:s0], [sflag:$0x4] =	stream.indirect_vreg.gather [hbm4b:s2+s3], $0x80, v4, vm0, $0xb8;
	[tilespmem:$0x18200] =	vst v63  }
0x202: {  	s0 =	simm.s32 $0x6A00  }
0x203: {  	[tilespmem:s0], [sflag:$0x4] =	stream.indirect_vreg.gather [hbm4b:s5+s3], $0x80, v4, vm0, $0xb8;
	[tilespmem:$0x18200] =	vst v63  }
0x204: {  	s0 =	simm.s32 $0x7200  }
0x205: {  	[tilespmem:s0], [sflag:$0x4] =	stream.indirect_vreg.gather [hbm4b:s2+s3], $0x80, v3, vm0, $0xb8;
	[tilespmem:$0x18200] =	vst v63  }
0x206: {  	s0 =	simm.s32 $0x7A00  }
0x207: {  	[tilespmem:s0], [sflag:$0x4] =	stream.indirect_vreg.gather [hbm4b:s5+s3], $0x80, v3, vm0, $0xb8;
	[tilespmem:$0x18200] =	vst v63  }
0x208: {  	_ =	swait.ge [sflag:s22], $0x4000  }
0x209: {  	[sflag:s22] =	ssyncset.done $0x0  }
0x20a: {  	s0 =	rddreg [dreg:$0xd];
	[sflag:s22] =	ssyncadd.s32 $0xFFFFC000  }
0x20b: {  	[hbm4b:s0+s3] =	stream.linear.scatter [tilespmem:s7], [sflag:$0xB], $0x4000, $0x38;
	[tilespmem:$0x18200] =	vst v63  }
0x20c: {  	_ =	swait.ge [sflag:s23], $0x4000  }
0x20d: {  	[sflag:s23] =	ssyncset.done $0x0  }
0x20e: {  	[sflag:s23] =	ssyncadd.s32 $0xFFFFC000  }
0x20f: {  	v3 =	vld [tilespmem:$0x1C0];
	_ =	sdelay $0x4  }
0x210: {  	v60 =	vshll.u32 v3, $0x2  }
0x211: {  	v3 =	vand.u32 $0x7, v3;
	v4 =	vand.u32 $0xFFFFFFE0, v60  }
0x212: {  	v3 =	vor.u32 v3, v4  }
0x213: {  	v4 =	vperm.xlane v3, v0;
	_ =	sdelay $0x1  }
0x214: {  	v4 =	vadd.s32 v1, v4;
	_ =	sdelay $0x1  }
0x215: {  	v3 =	vperm.xlane v3, v2;
	_ =	sdelay $0x1  }
0x216: {  	v3 =	vadd.s32 v1, v3  }
0x217: {  	[tilespmem:s7], [sflag:$0x5] =	stream.indirect_vreg.gather [hbm4b:s2+s3], $0x80, v4, vm0, $0xb8;
	[tilespmem:$0x18200] =	vst v63  }
0x218: {  	s0 =	simm.s32 $0x8A00  }
0x219: {  	[tilespmem:s0], [sflag:$0x5] =	stream.indirect_vreg.gather [hbm4b:s5+s3], $0x80, v4, vm0, $0xb8;
	[tilespmem:$0x18200] =	vst v63  }
0x21a: {  	s0 =	simm.s32 $0x9200  }
0x21b: {  	[tilespmem:s0], [sflag:$0x5] =	stream.indirect_vreg.gather [hbm4b:s2+s3], $0x80, v3, vm0, $0xb8;
	[tilespmem:$0x18200] =	vst v63  }
0x21c: {  	s0 =	simm.s32 $0x9A00  }
0x21d: {  	[tilespmem:s0], [sflag:$0x5] =	stream.indirect_vreg.gather [hbm4b:s5+s3], $0x80, v3, vm0, $0xb8;
	[tilespmem:$0x18200] =	vst v63  }
0x21e: {  	v3 =	vld [tilespmem:$0x1D0];
	_ =	sdelay $0x4  }
0x21f: {  	v61 =	vshll.u32 v3, $0x2  }
0x220: {  	v3 =	vand.u32 $0x7, v3;
	v4 =	vand.u32 $0xFFFFFFE0, v61  }
0x221: {  	v3 =	vor.u32 v3, v4  }
0x222: {  	v4 =	vperm.xlane v3, v0;
	_ =	sdelay $0x1  }
0x223: {  	v4 =	vadd.s32 v1, v4;
	_ =	sdelay $0x1  }
0x224: {  	v3 =	vperm.xlane v3, v2;
	_ =	sdelay $0x1  }
0x225: {  	s0 =	simm.s32 $0xA200;
	v3 =	vadd.s32 v1, v3  }
0x226: {  	[tilespmem:s0], [sflag:$0x5] =	stream.indirect_vreg.gather [hbm4b:s2+s3], $0x80, v4, vm0, $0xb8;
	[tilespmem:$0x18200] =	vst v63  }
0x227: {  	s0 =	simm.s32 $0xAA00  }
0x228: {  	[tilespmem:s0], [sflag:$0x5] =	stream.indirect_vreg.gather [hbm4b:s5+s3], $0x80, v4, vm0, $0xb8;
	[tilespmem:$0x18200] =	vst v63  }
0x229: {  	s0 =	simm.s32 $0xB200  }
0x22a: {  	[tilespmem:s0], [sflag:$0x5] =	stream.indirect_vreg.gather [hbm4b:s2+s3], $0x80, v3, vm0, $0xb8;
	[tilespmem:$0x18200] =	vst v63  }
0x22b: {  	s0 =	simm.s32 $0xBA00  }
0x22c: {  	[tilespmem:s0], [sflag:$0x5] =	stream.indirect_vreg.gather [hbm4b:s5+s3], $0x80, v3, vm0, $0xb8;
	[tilespmem:$0x18200] =	vst v63  }
0x22d: {  	_ =	swait.ge [sflag:s25], $0x4000  }
0x22e: {  	[sflag:s25] =	ssyncset.done $0x0  }
0x22f: {  	s0 =	rddreg [dreg:$0xe];
	[sflag:s25] =	ssyncadd.s32 $0xFFFFC000  }
0x230: {  	[hbm4b:s0+s3] =	stream.linear.scatter [tilespmem:s28], [sflag:$0xC], $0x4000, $0x38;
	[tilespmem:$0x18200] =	vst v63  }
0x231: {  	_ =	swait.ge [sflag:s26], $0x4000  }
0x232: {  	[sflag:s26] =	ssyncset.done $0x0  }
0x233: {  	[sflag:s26] =	ssyncadd.s32 $0xFFFFC000  }
0x234: {  	v3 =	vld [tilespmem:$0x1E0];
	_ =	sdelay $0x4  }
0x235: {  	v62 =	vshll.u32 v3, $0x2  }
0x236: {  	v3 =	vand.u32 $0x7, v3;
	v4 =	vand.u32 $0xFFFFFFE0, v62  }
0x237: {  	v3 =	vor.u32 v3, v4  }
0x238: {  	v4 =	vperm.xlane v3, v0;
	_ =	sdelay $0x1  }
0x239: {  	v4 =	vadd.s32 v1, v4;
	_ =	sdelay $0x1  }
0x23a: {  	v3 =	vperm.xlane v3, v2;
	_ =	sdelay $0x1  }
0x23b: {  	v3 =	vadd.s32 v1, v3  }
0x23c: {  	[tilespmem:s28], [sflag:$0x6] =	stream.indirect_vreg.gather [hbm4b:s2+s3], $0x80, v4, vm0, $0xb8;
	[tilespmem:$0x18200] =	vst v63  }
0x23d: {  	s0 =	simm.s32 $0xCA00  }
0x23e: {  	[tilespmem:s0], [sflag:$0x6] =	stream.indirect_vreg.gather [hbm4b:s5+s3], $0x80, v4, vm0, $0xb8;
	[tilespmem:$0x18200] =	vst v63  }
0x23f: {  	s0 =	simm.s32 $0xD200  }
0x240: {  	[tilespmem:s0], [sflag:$0x6] =	stream.indirect_vreg.gather [hbm4b:s2+s3], $0x80, v3, vm0, $0xb8;
	[tilespmem:$0x18200] =	vst v63  }
0x241: {  	s0 =	simm.s32 $0xDA00  }
0x242: {  	[tilespmem:s0], [sflag:$0x6] =	stream.indirect_vreg.gather [hbm4b:s5+s3], $0x80, v3, vm0, $0xb8;
	[tilespmem:$0x18200] =	vst v63  }
0x243: {  	v3 =	vld [tilespmem:$0x1F0];
	_ =	sdelay $0x4  }
0x244: {  	v63 =	vshll.u32 v3, $0x2  }
0x245: {  	v3 =	vand.u32 $0x7, v3;
	v4 =	vand.u32 $0xFFFFFFE0, v63  }
0x246: {  	v3 =	vor.u32 v3, v4  }
0x247: {  	v4 =	vperm.xlane v3, v0;
	_ =	sdelay $0x1  }
0x248: {  	v4 =	vadd.s32 v1, v4;
	_ =	sdelay $0x1  }
0x249: {  	v3 =	vperm.xlane v3, v2;
	_ =	sdelay $0x1  }
0x24a: {  	s0 =	simm.s32 $0xE200;
	v3 =	vadd.s32 v1, v3  }
0x24b: {  	[tilespmem:s0], [sflag:$0x6] =	stream.indirect_vreg.gather [hbm4b:s2+s3], $0x80, v4, vm0, $0xb8;
	[tilespmem:$0x18200] =	vst v63  }
0x24c: {  	s0 =	simm.s32 $0xEA00  }
0x24d: {  	[tilespmem:s0], [sflag:$0x6] =	stream.indirect_vreg.gather [hbm4b:s5+s3], $0x80, v4, vm0, $0xb8;
	[tilespmem:$0x18200] =	vst v63  }
0x24e: {  	s0 =	simm.s32 $0xF200  }
0x24f: {  	[tilespmem:s0], [sflag:$0x6] =	stream.indirect_vreg.gather [hbm4b:s2+s3], $0x80, v3, vm0, $0xb8;
	[tilespmem:$0x18200] =	vst v63  }
0x250: {  	s0 =	simm.s32 $0xFA00  }
0x251: {  	[tilespmem:s0], [sflag:$0x6] =	stream.indirect_vreg.gather [hbm4b:s5+s3], $0x80, v3, vm0, $0xb8;
	[tilespmem:$0x18200] =	vst v63  }
0x252: {  	_ =	swait.ge [sflag:s1], $0x4000  }
0x253: {  	[sflag:s1] =	ssyncset.done $0x0  }
0x254: {  	s18 =	simm.s32 $0x10200;
	s0 =	rddreg [dreg:$0xf];
	[sflag:s1] =	ssyncadd.s32 $0xFFFFC000  }
0x255: {  	[hbm4b:s0+s3] =	stream.linear.scatter [tilespmem:s18], [sflag:$0xD], $0x4000, $0x38;
	[tilespmem:$0x18200] =	vst v63  }
0x256: {  	_ =	swait.ge [sflag:s8], $0x4000  }
0x257: {  	[sflag:s8] =	ssyncset.done $0x0  }
0x258: {  	s10 =	simm.s32 $0x14200;
	s18 =	rddreg [dreg:$0x10];
	[sflag:s8] =	ssyncadd.s32 $0xFFFFC000  }
0x259: {  	[hbm4b:s18+s3] =	stream.linear.scatter [tilespmem:s10], [sflag:$0xE], $0x4000, $0x38;
	[tilespmem:$0x18200] =	vst v63  }
0x25a: {  	_ =	swait.ge [sflag:s13], $0x4000  }
0x25b: {  	[sflag:s13] =	ssyncset.done $0x0  }
0x25c: {  	s1 =	rddreg [dreg:$0x11];
	[sflag:s13] =	ssyncadd.s32 $0xFFFFC000  }
0x25d: {  	[hbm4b:s1+s3] =	stream.linear.scatter [tilespmem:s16], [sflag:$0x9], $0x4000, $0x38;
	[tilespmem:$0x18200] =	vst v63  }
0x25e: {  	_ =	swait.ge [sflag:s20], $0x4000  }
0x25f: {  	[sflag:s20] =	ssyncset.done $0x0  }
0x260: {  	s8 =	rddreg [dreg:$0x12];
	[sflag:s20] =	ssyncadd.s32 $0xFFFFC000  }
0x261: {  	[hbm4b:s8+s3] =	stream.linear.scatter [tilespmem:s24], [sflag:$0xA], $0x4000, $0x38;
	[tilespmem:$0x18200] =	vst v63  }
0x262: {  	_ =	swait.ge [sflag:s22], $0x4000  }
0x263: {  	[sflag:s22] =	ssyncset.done $0x0  }
0x264: {  	s10 =	rddreg [dreg:$0x13];
	[sflag:s22] =	ssyncadd.s32 $0xFFFFC000  }
0x265: {  	[hbm4b:s10+s3] =	stream.linear.scatter [tilespmem:s7], [sflag:$0xB], $0x4000, $0x38;
	[tilespmem:$0x18200] =	vst v63  }
0x266: {  	_ =	swait.ge [sflag:s25], $0x4000  }
0x267: {  	[sflag:s25] =	ssyncset.done $0x0  }
0x268: {  	s18 =	rddreg [dreg:$0x14];
	[sflag:s25] =	ssyncadd.s32 $0xFFFFC000  }
0x269: {  	[hbm4b:s18+s3] =	stream.linear.scatter [tilespmem:s28], [sflag:$0xC], $0x4000, $0x38;
	[tilespmem:$0x18200] =	vst v63  }
0x26a: {  	_ =	swait.ge [sflag:s19], $0x4000  }
0x26b: {  	[sflag:s19] =	ssyncset.done $0x0  }
0x26c: {  	[sflag:s19] =	ssyncadd.s32 $0xFFFFC000  }
0x26d: {  	_ =	swait.ge [sflag:s21], $0x4000  }
0x26e: {  	[sflag:s21] =	ssyncset.done $0x0  }
0x26f: {  	[sflag:s21] =	ssyncadd.s32 $0xFFFFC000  }
0x270: {  	_ =	swait.ge [sflag:s23], $0x4000  }
0x271: {  	[sflag:s23] =	ssyncset.done $0x0  }
0x272: {  	[sflag:s23] =	ssyncadd.s32 $0xFFFFC000  }
0x273: {  	_ =	swait.ge [sflag:s26], $0x4000  }
0x274: {  	[sflag:s26] =	ssyncset.done $0x0  }
0x275: {  	[sflag:s26] =	ssyncadd.s32 $0xFFFFC000  }
0x276: {  	p0 =	sne.s32 s6, $0x1;
	_ =	swait.ge [sflag:s4], $0x4000  }
.Ltmp0:
0x277: {  	[sflag:s4] =	ssyncset.done $0x0;
	(pc) =	sbr.rel @p0 .LBB2_1-.Ltmp0, $4  }
0x278: {  	[sflag:s4] =	ssyncadd.s32 $0xFFFFC000  }
0x279: {  	_ =	swait.ge [sflag:s9], $0x4000  }
0x27a: {  	[sflag:s9] =	ssyncset.done $0x0  }
0x27b: {  	s6 =	sadd.s32 $0xFFFFFFFF, s6;
	[sflag:s9] =	ssyncadd.s32 $0xFFFFC000  }
0x27c: {  	_ =	sfence.sel $0x180000  }
0x27d: {  	[bflag:$0x0] =	sbarrier.arrive $0xFFFF  }
0x27e: {  	_ =	strace $0x90000047  }
0x27f: {  	s0 =	stileid.u32;
	[bflag:$0x2] =	sbarrier.arrive $0xFFFF  }
0x280: {  	p0 =	sne.s32 s0, $0x0;
	s0 =	rddreg [dreg:$0x3]  }
0x281: {  	s0 =	sadd.s32 @!p0 $0x100000, s0  }
0x282: {  	[sflag:s0] =	ssyncadd.tile.s32 @!p0 $0x1;
	_ =	shalt  }
.Lfunc_end2:
_tile_overlayer_lowered:
.L_overlay_start_2:
0x283: {  	(tag) =	ssettag $0x2  }
0x284: {  	s0 =	rddreg [dreg:$0x0];
	s2 =	stileid.u32  }
0x285: {  	s1 =	rddreg [dreg:$0x1];
	p0 =	sne.s32 s2, $0x0  }
0x286: {  	s3 =	rddreg [dreg:$0x2];
	[bflag:$0x3] =	sbarrier.arrive $0xFFFF;
	s2 =	simm.s32 @!p0 $0x1C0F  }
0x287: {  	[timem:s3], [sflag:s2] =	dma.local @!p0 [hbm:s0], s1  }
0x288: {  	s0 =	simm.s32 @!p0 $0xF  }
0x289: {  	_ =	swait.ge @!p0 [sflag:s0], s1  }
0x28a: {  	s1 =	ssub.s32 @!p0 $0x0, s1;
	[sflag:s0] =	ssyncset.done @!p0 $0x0  }
0x28b: {  	[sflag:s0] =	ssyncadd.s32 @!p0 s1  }
0x28c: {  	[bflag:$0x3] =	sbarrier.arrive $0xFFFF  }
0x28d: {  	_ =	shalt  }

</sc_bundles>
